<compile_context>
chip_gen: v7x
topology: tpu7x:2x2x1
jax: 0.10.2.dev20260603
libtpu: 0.0.44.dev20260713+nightly
codegen_flags: <defaults>
</compile_context>

<pallas_src>
import functools

import jax
import jax.numpy as jnp
from jax import lax
from jax.experimental import pallas as pl
from jax.experimental.pallas import tpu as pltpu
from jax.experimental.pallas import tpu_sc as plsc

B = 16384
D = 64
NC = 2
NS = 16
NW = NC * NS
BPW = B // NW
IDX_ROWS = BPW // 128

_mesh = plsc.VectorSubcoreMesh(
    core_axis_name="c", subcore_axis_name="s", num_cores=NC, num_subcores=NS
)


@functools.partial(
    pl.kernel,
    out_type=jax.ShapeDtypeStruct((B // 128, 128), jnp.float32),
    mesh=_mesh,
    scratch_types=[
        pltpu.VMEM((IDX_ROWS, 128), jnp.int32),
        pltpu.VMEM((IDX_ROWS, 128), jnp.int32),
        pltpu.VMEM((IDX_ROWS, 128), jnp.float32),
        pltpu.VMEM((IDX_ROWS, 128), jnp.float32),
        pltpu.SemaphoreType.DMA,
        pltpu.SemaphoreType.DMA((IDX_ROWS,)),
        pltpu.SemaphoreType.DMA,
    ],
    compiler_params=pltpu.CompilerParams(needs_layout_passes=False),
)
def _sc_bias_kernel(
    uid_hbm, iid_hbm, bu_hbm, bi_hbm,
    out_hbm,
    idx_u, idx_i, bu_v, bi_v, sem, sem_g, sem_o,
):
    wid = lax.axis_index("s") * NC + lax.axis_index("c")
    irow = wid * IDX_ROWS

    cp_u = pltpu.async_copy(uid_hbm.at[pl.ds(irow, IDX_ROWS)], idx_u, sem)
    cp_i = pltpu.async_copy(iid_hbm.at[pl.ds(irow, IDX_ROWS)], idx_i, sem)
    cp_u.wait()
    cp_i.wait()

    gathers = []
    for j in range(IDX_ROWS):
        gathers.append(
            pltpu.async_copy(bu_hbm.at[idx_u.at[j]], bu_v.at[j], sem_g.at[j])
        )
        gathers.append(
            pltpu.async_copy(bi_hbm.at[idx_i.at[j]], bi_v.at[j], sem_g.at[j])
        )

    outs = []
    for j in range(IDX_ROWS):
        gathers[2 * j].wait()
        gathers[2 * j + 1].wait()
        for k in range(128 // 16):
            s = bu_v[j, pl.ds(16 * k, 16)] + bi_v[j, pl.ds(16 * k, 16)]
            bu_v[j, pl.ds(16 * k, 16)] = s
        outs.append(
            pltpu.async_copy(bu_v.at[j], out_hbm.at[irow + j], sem_o)
        )
    for o in outs:
        o.wait()


_TC_BLK = 8192


def _tc_dense_body(uft_ref, ift_ref, w_ref, b_ref, o_ref):
    t = uft_ref[...] * ift_ref[...]
    s = jax.lax.dot_general(
        w_ref[...], t, (((1,), (0,)), ((), ())),
        preferred_element_type=jnp.float32,
    )
    o_ref[...] = (s + b_ref[0]).reshape(_TC_BLK // 128, 128)


_tc_dense = pl.pallas_call(
    _tc_dense_body,
    grid=(B // _TC_BLK,),
    in_specs=[
        pl.BlockSpec((D, _TC_BLK), lambda i: (0, i)),
        pl.BlockSpec((D, _TC_BLK), lambda i: (0, i)),
        pl.BlockSpec((1, D), lambda i: (0, 0)),
        pl.BlockSpec(memory_space=pltpu.SMEM),
    ],
    out_specs=pl.BlockSpec((_TC_BLK // 128, 128), lambda i: (i, 0)),
    out_shape=jax.ShapeDtypeStruct((B // 128, 128), jnp.float32),
)


def kernel(user_feature, user_id, item_feature, item_id, W, b, b_user, b_item):
    uid = user_id.astype(jnp.int32).reshape(B // 128, 128)
    iid = item_id.astype(jnp.int32).reshape(B // 128, 128)
    bias = _sc_bias_kernel(uid, iid, b_user, b_item)
    lin = _tc_dense(user_feature.T, item_feature.T, W, b)
    return (lin + bias).reshape(B, 1)

# --- scband reference (transcript-rebuilt; emitter-appended) ---
"""Pipeline reference for scband-latent-factor-81406810128655 (READ-ONLY COPY).

The authoritative reference and input builder live on the scoring server;
editing this copy changes nothing except your own understanding.
"""

import jax, jax.numpy as jnp
import numpy as np

ID_DIM = 64
USER_COUNT = 1000000
ITEM_COUNT = 1000000
BATCH = 16384

def setup_inputs(seed: int = 0) -> dict:
    key = jax.random.key(seed)
    k1, k2, k3, k4, k5, k6, k7, k8 = jax.random.split(key, 8)
    user_feature = jax.random.normal(k1, (BATCH, ID_DIM), dtype=jnp.float32)
    item_feature = jax.random.normal(k2, (BATCH, ID_DIM), dtype=jnp.float32)
    user_id = jax.random.randint(k3, (BATCH, 1), 0, USER_COUNT, dtype=jnp.int64 if jax.config.jax_enable_x64 else jnp.int32)
    item_id = jax.random.randint(k4, (BATCH, 1), 0, ITEM_COUNT, dtype=jnp.int64 if jax.config.jax_enable_x64 else jnp.int32)
    # nn.Linear(id_dim, 1): weight [1, id_dim], bias [1]
    bound = 1.0 / np.sqrt(ID_DIM)
    W = jax.random.uniform(k5, (1, ID_DIM), minval=-bound, maxval=bound, dtype=jnp.float32)
    b = jax.random.uniform(k6, (1,), minval=-bound, maxval=bound, dtype=jnp.float32)
    b_user = jax.random.normal(k7, (USER_COUNT,), dtype=jnp.float32)
    b_item = jax.random.normal(k8, (ITEM_COUNT,), dtype=jnp.float32)
    return {"user_feature": user_feature, "user_id": user_id, "item_feature": item_feature, "item_id": item_id, "W": W, "b": b, "b_user": b_user, "b_item": b_item}

def reference(user_feature, user_id, item_feature, item_id, W, b, b_user, b_item):
    # dot = user_feature * item_feature  -> [B, id_dim]
    dot = user_feature * item_feature
    # linear(dot) -> [B, 1]
    lin = jnp.dot(dot, W.T) + b
    # b_user[user_id] -> [B, 1] gather; b_item[item_id] -> [B, 1] gather
    bu = jnp.take(b_user, user_id, axis=0)
    bi = jnp.take(b_item, item_id, axis=0)
    predict = lin + bu + bi
    return predict

if __name__ == "__main__":
    import jax
    _d = setup_inputs()
    print(jax.jit(kernel)(*tuple(_d.values())))

</pallas_src>

<mosaic_0001>
#map = affine_map<(d0, d1) -> (0, 0)>
#map1 = affine_map<(d0, d1) -> (0)>
module attributes {stable_mosaic.version = 14 : i64} {
  func.func @_sc_bias_kernel(%arg0: i32, %arg1: i32, %arg2: memref<128x128xi32, #tpu.memory_space<hbm>>, %arg3: memref<128x128xi32, #tpu.memory_space<hbm>>, %arg4: memref<1000000xf32, #tpu.memory_space<hbm>>, %arg5: memref<1000000xf32, #tpu.memory_space<hbm>>, %arg6: memref<128x128xf32, #tpu.memory_space<hbm>>, %arg7: memref<4x128xi32, #tpu.memory_space<vmem>>, %arg8: memref<4x128xi32, #tpu.memory_space<vmem>>, %arg9: memref<4x128xf32, #tpu.memory_space<vmem>>, %arg10: memref<4x128xf32, #tpu.memory_space<vmem>>, %arg11: memref<!tpu.dma_semaphore, #tpu.memory_space<semaphore_mem>>, %arg12: memref<4x!tpu.dma_semaphore, #tpu.memory_space<semaphore_mem>>, %arg13: memref<!tpu.dma_semaphore, #tpu.memory_space<semaphore_mem>>) attributes {dimension_semantics = [#tpu.dimension_semantics<core_parallel>, #tpu.dimension_semantics<subcore_parallel>], iteration_bounds = array<i64: 2, 16>, scalar_prefetch = 0 : i64, scratch_operands = 7 : i64, tpu.core_type = #tpu.core_type<sc_vector_subcore>, window_params = [{transform_indices = #map}, {transform_indices = #map}, {transform_indices = #map1}, {transform_indices = #map1}, {transform_indices = #map}]} {
    %mul3A = arith.constant 2 : i32
    %mul3A_0 = arith.muli %arg1, %mul3A : i32
    %add3A = arith.addi %mul3A_0, %arg0 : i32
    %mul3A_1 = arith.constant 4 : i32
    %mul3A_2 = arith.muli %add3A, %mul3A_1 : i32
    %dma_start3A = arith.constant 0 : i32
    %dma_start3A_3 = tpu.memref_slice %arg2[%mul3A_2, %dma_start3A] : memref<128x128xi32, #tpu.memory_space<hbm>> -> memref<4x128xi32, #tpu.memory_space<hbm>>
    %dma_start3A_4 = arith.constant 0 : i32
    %dma_start3A_5 = tpu.memref_slice %arg2[%mul3A_2, %dma_start3A_4] : memref<128x128xi32, #tpu.memory_space<hbm>> -> memref<4x128xi32, #tpu.memory_space<hbm>>
    tpu.enqueue_dma source(%dma_start3A_5 : memref<4x128xi32, #tpu.memory_space<hbm>>) target(%arg7 : memref<4x128xi32, #tpu.memory_space<vmem>>) target_semaphore(%arg11 : memref<!tpu.dma_semaphore, #tpu.memory_space<semaphore_mem>>)
    %dma_start3A_6 = arith.constant 0 : i32
    %dma_start3A_7 = tpu.memref_slice %arg3[%mul3A_2, %dma_start3A_6] : memref<128x128xi32, #tpu.memory_space<hbm>> -> memref<4x128xi32, #tpu.memory_space<hbm>>
    %dma_start3A_8 = arith.constant 0 : i32
    %dma_start3A_9 = tpu.memref_slice %arg3[%mul3A_2, %dma_start3A_8] : memref<128x128xi32, #tpu.memory_space<hbm>> -> memref<4x128xi32, #tpu.memory_space<hbm>>
    tpu.enqueue_dma source(%dma_start3A_9 : memref<4x128xi32, #tpu.memory_space<hbm>>) target(%arg8 : memref<4x128xi32, #tpu.memory_space<vmem>>) target_semaphore(%arg11 : memref<!tpu.dma_semaphore, #tpu.memory_space<semaphore_mem>>)
    %dma_wait3A = arith.constant 0 : i32
    %dma_wait3A_10 = tpu.memref_slice %arg2[%mul3A_2, %dma_wait3A] : memref<128x128xi32, #tpu.memory_space<hbm>> -> memref<4x128xi32, #tpu.memory_space<hbm>>
    %dma_wait3A_11 = arith.constant 0 : i32
    %dma_wait3A_12 = tpu.memref_slice %arg2[%mul3A_2, %dma_wait3A_11] : memref<128x128xi32, #tpu.memory_space<hbm>> -> memref<4x128xi32, #tpu.memory_space<hbm>>
    tpu.wait_dma2 semaphore(%arg11 : memref<!tpu.dma_semaphore, #tpu.memory_space<semaphore_mem>>) src(%dma_wait3A_12 : memref<4x128xi32, #tpu.memory_space<hbm>>) dst(%arg7 : memref<4x128xi32, #tpu.memory_space<vmem>>)
    %dma_wait3A_13 = arith.constant 0 : i32
    %dma_wait3A_14 = tpu.memref_slice %arg3[%mul3A_2, %dma_wait3A_13] : memref<128x128xi32, #tpu.memory_space<hbm>> -> memref<4x128xi32, #tpu.memory_space<hbm>>
    %dma_wait3A_15 = arith.constant 0 : i32
    %dma_wait3A_16 = tpu.memref_slice %arg3[%mul3A_2, %dma_wait3A_15] : memref<128x128xi32, #tpu.memory_space<hbm>> -> memref<4x128xi32, #tpu.memory_space<hbm>>
    tpu.wait_dma2 semaphore(%arg11 : memref<!tpu.dma_semaphore, #tpu.memory_space<semaphore_mem>>) src(%dma_wait3A_16 : memref<4x128xi32, #tpu.memory_space<hbm>>) dst(%arg8 : memref<4x128xi32, #tpu.memory_space<vmem>>)
    %dma_start3A_17 = arith.constant 0 : i32
    %dma_start3A_18 = arith.constant 0 : i32
    %dma_start3A_19 = arith.constant 0 : i32
    %dma_start3A_20 = arith.constant 0 : i32
    %dma_start3A_21 = tpu.memref_slice %arg9[%dma_start3A_18, %dma_start3A_20] : memref<4x128xf32, #tpu.memory_space<vmem>> -> memref<1x128xf32, #tpu.memory_space<vmem>>
    %dma_start3A_22 = tpu.memref_squeeze %dma_start3A_21 : memref<1x128xf32, #tpu.memory_space<vmem>> -> memref<128xf32, #tpu.memory_space<vmem>>
    %dma_start3A_23 = arith.constant 0 : i32
    %dma_start3A_24 = tpu.memref_slice %arg7[%dma_start3A_17, %dma_start3A_23] : memref<4x128xi32, #tpu.memory_space<vmem>> -> memref<1x128xi32, #tpu.memory_space<vmem>>
    %dma_start3A_25 = tpu.memref_squeeze %dma_start3A_24 : memref<1x128xi32, #tpu.memory_space<vmem>> -> memref<128xi32, #tpu.memory_space<vmem>>
    %dma_start3A_26 = arith.constant 0 : i32
    %dma_start3A_27 = tpu.memref_slice %arg4[%dma_start3A_26] : memref<1000000xf32, #tpu.memory_space<hbm>> -> memref<1000000xf32, #tpu.memory_space<hbm>>
    %dma_start3A_28 = tpu.memref_slice %arg12[%dma_start3A_19] : memref<4x!tpu.dma_semaphore, #tpu.memory_space<semaphore_mem>> -> memref<1x!tpu.dma_semaphore, #tpu.memory_space<semaphore_mem>>
    %dma_start3A_29 = tpu.memref_squeeze %dma_start3A_28 : memref<1x!tpu.dma_semaphore, #tpu.memory_space<semaphore_mem>> -> memref<!tpu.dma_semaphore, #tpu.memory_space<semaphore_mem>>
    tpu.enqueue_indirect_dma source(%dma_start3A_27 : memref<1000000xf32, #tpu.memory_space<hbm>>) target(%dma_start3A_22 : memref<128xf32, #tpu.memory_space<vmem>>) offsets(%dma_start3A_25 : memref<128xi32, #tpu.memory_space<vmem>>) semaphore(%dma_start3A_29 : memref<!tpu.dma_semaphore, #tpu.memory_space<semaphore_mem>>)
    %dma_start3A_30 = arith.constant 0 : i32
    %dma_start3A_31 = arith.constant 0 : i32
    %dma_start3A_32 = arith.constant 0 : i32
    %dma_start3A_33 = arith.constant 0 : i32
    %dma_start3A_34 = tpu.memref_slice %arg10[%dma_start3A_31, %dma_start3A_33] : memref<4x128xf32, #tpu.memory_space<vmem>> -> memref<1x128xf32, #tpu.memory_space<vmem>>
    %dma_start3A_35 = tpu.memref_squeeze %dma_start3A_34 : memref<1x128xf32, #tpu.memory_space<vmem>> -> memref<128xf32, #tpu.memory_space<vmem>>
    %dma_start3A_36 = arith.constant 0 : i32
    %dma_start3A_37 = tpu.memref_slice %arg8[%dma_start3A_30, %dma_start3A_36] : memref<4x128xi32, #tpu.memory_space<vmem>> -> memref<1x128xi32, #tpu.memory_space<vmem>>
    %dma_start3A_38 = tpu.memref_squeeze %dma_start3A_37 : memref<1x128xi32, #tpu.memory_space<vmem>> -> memref<128xi32, #tpu.memory_space<vmem>>
    %dma_start3A_39 = arith.constant 0 : i32
    %dma_start3A_40 = tpu.memref_slice %arg5[%dma_start3A_39] : memref<1000000xf32, #tpu.memory_space<hbm>> -> memref<1000000xf32, #tpu.memory_space<hbm>>
    %dma_start3A_41 = tpu.memref_slice %arg12[%dma_start3A_32] : memref<4x!tpu.dma_semaphore, #tpu.memory_space<semaphore_mem>> -> memref<1x!tpu.dma_semaphore, #tpu.memory_space<semaphore_mem>>
    %dma_start3A_42 = tpu.memref_squeeze %dma_start3A_41 : memref<1x!tpu.dma_semaphore, #tpu.memory_space<semaphore_mem>> -> memref<!tpu.dma_semaphore, #tpu.memory_space<semaphore_mem>>
    tpu.enqueue_indirect_dma source(%dma_start3A_40 : memref<1000000xf32, #tpu.memory_space<hbm>>) target(%dma_start3A_35 : memref<128xf32, #tpu.memory_space<vmem>>) offsets(%dma_start3A_38 : memref<128xi32, #tpu.memory_space<vmem>>) semaphore(%dma_start3A_42 : memref<!tpu.dma_semaphore, #tpu.memory_space<semaphore_mem>>)
    %dma_start3A_43 = arith.constant 1 : i32
    %dma_start3A_44 = arith.constant 1 : i32
    %dma_start3A_45 = arith.constant 1 : i32
    %dma_start3A_46 = arith.constant 0 : i32
    %dma_start3A_47 = tpu.memref_slice %arg9[%dma_start3A_44, %dma_start3A_46] : memref<4x128xf32, #tpu.memory_space<vmem>> -> memref<1x128xf32, #tpu.memory_space<vmem>>
    %dma_start3A_48 = tpu.memref_squeeze %dma_start3A_47 : memref<1x128xf32, #tpu.memory_space<vmem>> -> memref<128xf32, #tpu.memory_space<vmem>>
    %dma_start3A_49 = arith.constant 0 : i32
    %dma_start3A_50 = tpu.memref_slice %arg7[%dma_start3A_43, %dma_start3A_49] : memref<4x128xi32, #tpu.memory_space<vmem>> -> memref<1x128xi32, #tpu.memory_space<vmem>>
    %dma_start3A_51 = tpu.memref_squeeze %dma_start3A_50 : memref<1x128xi32, #tpu.memory_space<vmem>> -> memref<128xi32, #tpu.memory_space<vmem>>
    %dma_start3A_52 = arith.constant 0 : i32
    %dma_start3A_53 = tpu.memref_slice %arg4[%dma_start3A_52] : memref<1000000xf32, #tpu.memory_space<hbm>> -> memref<1000000xf32, #tpu.memory_space<hbm>>
    %dma_start3A_54 = tpu.memref_slice %arg12[%dma_start3A_45] : memref<4x!tpu.dma_semaphore, #tpu.memory_space<semaphore_mem>> -> memref<1x!tpu.dma_semaphore, #tpu.memory_space<semaphore_mem>>
    %dma_start3A_55 = tpu.memref_squeeze %dma_start3A_54 : memref<1x!tpu.dma_semaphore, #tpu.memory_space<semaphore_mem>> -> memref<!tpu.dma_semaphore, #tpu.memory_space<semaphore_mem>>
    tpu.enqueue_indirect_dma source(%dma_start3A_53 : memref<1000000xf32, #tpu.memory_space<hbm>>) target(%dma_start3A_48 : memref<128xf32, #tpu.memory_space<vmem>>) offsets(%dma_start3A_51 : memref<128xi32, #tpu.memory_space<vmem>>) semaphore(%dma_start3A_55 : memref<!tpu.dma_semaphore, #tpu.memory_space<semaphore_mem>>)
    %dma_start3A_56 = arith.constant 1 : i32
    %dma_start3A_57 = arith.constant 1 : i32
    %dma_start3A_58 = arith.constant 1 : i32
    %dma_start3A_59 = arith.constant 0 : i32
    %dma_start3A_60 = tpu.memref_slice %arg10[%dma_start3A_57, %dma_start3A_59] : memref<4x128xf32, #tpu.memory_space<vmem>> -> memref<1x128xf32, #tpu.memory_space<vmem>>
    %dma_start3A_61 = tpu.memref_squeeze %dma_start3A_60 : memref<1x128xf32, #tpu.memory_space<vmem>> -> memref<128xf32, #tpu.memory_space<vmem>>
    %dma_start3A_62 = arith.constant 0 : i32
    %dma_start3A_63 = tpu.memref_slice %arg8[%dma_start3A_56, %dma_start3A_62] : memref<4x128xi32, #tpu.memory_space<vmem>> -> memref<1x128xi32, #tpu.memory_space<vmem>>
    %dma_start3A_64 = tpu.memref_squeeze %dma_start3A_63 : memref<1x128xi32, #tpu.memory_space<vmem>> -> memref<128xi32, #tpu.memory_space<vmem>>
    %dma_start3A_65 = arith.constant 0 : i32
    %dma_start3A_66 = tpu.memref_slice %arg5[%dma_start3A_65] : memref<1000000xf32, #tpu.memory_space<hbm>> -> memref<1000000xf32, #tpu.memory_space<hbm>>
    %dma_start3A_67 = tpu.memref_slice %arg12[%dma_start3A_58] : memref<4x!tpu.dma_semaphore, #tpu.memory_space<semaphore_mem>> -> memref<1x!tpu.dma_semaphore, #tpu.memory_space<semaphore_mem>>
    %dma_start3A_68 = tpu.memref_squeeze %dma_start3A_67 : memref<1x!tpu.dma_semaphore, #tpu.memory_space<semaphore_mem>> -> memref<!tpu.dma_semaphore, #tpu.memory_space<semaphore_mem>>
    tpu.enqueue_indirect_dma source(%dma_start3A_66 : memref<1000000xf32, #tpu.memory_space<hbm>>) target(%dma_start3A_61 : memref<128xf32, #tpu.memory_space<vmem>>) offsets(%dma_start3A_64 : memref<128xi32, #tpu.memory_space<vmem>>) semaphore(%dma_start3A_68 : memref<!tpu.dma_semaphore, #tpu.memory_space<semaphore_mem>>)
    %dma_start3A_69 = arith.constant 2 : i32
    %dma_start3A_70 = arith.constant 2 : i32
    %dma_start3A_71 = arith.constant 2 : i32
    %dma_start3A_72 = arith.constant 0 : i32
    %dma_start3A_73 = tpu.memref_slice %arg9[%dma_start3A_70, %dma_start3A_72] : memref<4x128xf32, #tpu.memory_space<vmem>> -> memref<1x128xf32, #tpu.memory_space<vmem>>
    %dma_start3A_74 = tpu.memref_squeeze %dma_start3A_73 : memref<1x128xf32, #tpu.memory_space<vmem>> -> memref<128xf32, #tpu.memory_space<vmem>>
    %dma_start3A_75 = arith.constant 0 : i32
    %dma_start3A_76 = tpu.memref_slice %arg7[%dma_start3A_69, %dma_start3A_75] : memref<4x128xi32, #tpu.memory_space<vmem>> -> memref<1x128xi32, #tpu.memory_space<vmem>>
    %dma_start3A_77 = tpu.memref_squeeze %dma_start3A_76 : memref<1x128xi32, #tpu.memory_space<vmem>> -> memref<128xi32, #tpu.memory_space<vmem>>
    %dma_start3A_78 = arith.constant 0 : i32
    %dma_start3A_79 = tpu.memref_slice %arg4[%dma_start3A_78] : memref<1000000xf32, #tpu.memory_space<hbm>> -> memref<1000000xf32, #tpu.memory_space<hbm>>
    %dma_start3A_80 = tpu.memref_slice %arg12[%dma_start3A_71] : memref<4x!tpu.dma_semaphore, #tpu.memory_space<semaphore_mem>> -> memref<1x!tpu.dma_semaphore, #tpu.memory_space<semaphore_mem>>
    %dma_start3A_81 = tpu.memref_squeeze %dma_start3A_80 : memref<1x!tpu.dma_semaphore, #tpu.memory_space<semaphore_mem>> -> memref<!tpu.dma_semaphore, #tpu.memory_space<semaphore_mem>>
    tpu.enqueue_indirect_dma source(%dma_start3A_79 : memref<1000000xf32, #tpu.memory_space<hbm>>) target(%dma_start3A_74 : memref<128xf32, #tpu.memory_space<vmem>>) offsets(%dma_start3A_77 : memref<128xi32, #tpu.memory_space<vmem>>) semaphore(%dma_start3A_81 : memref<!tpu.dma_semaphore, #tpu.memory_space<semaphore_mem>>)
    %dma_start3A_82 = arith.constant 2 : i32
    %dma_start3A_83 = arith.constant 2 : i32
    %dma_start3A_84 = arith.constant 2 : i32
    %dma_start3A_85 = arith.constant 0 : i32
    %dma_start3A_86 = tpu.memref_slice %arg10[%dma_start3A_83, %dma_start3A_85] : memref<4x128xf32, #tpu.memory_space<vmem>> -> memref<1x128xf32, #tpu.memory_space<vmem>>
    %dma_start3A_87 = tpu.memref_squeeze %dma_start3A_86 : memref<1x128xf32, #tpu.memory_space<vmem>> -> memref<128xf32, #tpu.memory_space<vmem>>
    %dma_start3A_88 = arith.constant 0 : i32
    %dma_start3A_89 = tpu.memref_slice %arg8[%dma_start3A_82, %dma_start3A_88] : memref<4x128xi32, #tpu.memory_space<vmem>> -> memref<1x128xi32, #tpu.memory_space<vmem>>
    %dma_start3A_90 = tpu.memref_squeeze %dma_start3A_89 : memref<1x128xi32, #tpu.memory_space<vmem>> -> memref<128xi32, #tpu.memory_space<vmem>>
    %dma_start3A_91 = arith.constant 0 : i32
    %dma_start3A_92 = tpu.memref_slice %arg5[%dma_start3A_91] : memref<1000000xf32, #tpu.memory_space<hbm>> -> memref<1000000xf32, #tpu.memory_space<hbm>>
    %dma_start3A_93 = tpu.memref_slice %arg12[%dma_start3A_84] : memref<4x!tpu.dma_semaphore, #tpu.memory_space<semaphore_mem>> -> memref<1x!tpu.dma_semaphore, #tpu.memory_space<semaphore_mem>>
    %dma_start3A_94 = tpu.memref_squeeze %dma_start3A_93 : memref<1x!tpu.dma_semaphore, #tpu.memory_space<semaphore_mem>> -> memref<!tpu.dma_semaphore, #tpu.memory_space<semaphore_mem>>
    tpu.enqueue_indirect_dma source(%dma_start3A_92 : memref<1000000xf32, #tpu.memory_space<hbm>>) target(%dma_start3A_87 : memref<128xf32, #tpu.memory_space<vmem>>) offsets(%dma_start3A_90 : memref<128xi32, #tpu.memory_space<vmem>>) semaphore(%dma_start3A_94 : memref<!tpu.dma_semaphore, #tpu.memory_space<semaphore_mem>>)
    %dma_start3A_95 = arith.constant 3 : i32
    %dma_start3A_96 = arith.constant 3 : i32
    %dma_start3A_97 = arith.constant 3 : i32
    %dma_start3A_98 = arith.constant 0 : i32
    %dma_start3A_99 = tpu.memref_slice %arg9[%dma_start3A_96, %dma_start3A_98] : memref<4x128xf32, #tpu.memory_space<vmem>> -> memref<1x128xf32, #tpu.memory_space<vmem>>
    %dma_start3A_100 = tpu.memref_squeeze %dma_start3A_99 : memref<1x128xf32, #tpu.memory_space<vmem>> -> memref<128xf32, #tpu.memory_space<vmem>>
    %dma_start3A_101 = arith.constant 0 : i32
    %dma_start3A_102 = tpu.memref_slice %arg7[%dma_start3A_95, %dma_start3A_101] : memref<4x128xi32, #tpu.memory_space<vmem>> -> memref<1x128xi32, #tpu.memory_space<vmem>>
    %dma_start3A_103 = tpu.memref_squeeze %dma_start3A_102 : memref<1x128xi32, #tpu.memory_space<vmem>> -> memref<128xi32, #tpu.memory_space<vmem>>
    %dma_start3A_104 = arith.constant 0 : i32
    %dma_start3A_105 = tpu.memref_slice %arg4[%dma_start3A_104] : memref<1000000xf32, #tpu.memory_space<hbm>> -> memref<1000000xf32, #tpu.memory_space<hbm>>
    %dma_start3A_106 = tpu.memref_slice %arg12[%dma_start3A_97] : memref<4x!tpu.dma_semaphore, #tpu.memory_space<semaphore_mem>> -> memref<1x!tpu.dma_semaphore, #tpu.memory_space<semaphore_mem>>
    %dma_start3A_107 = tpu.memref_squeeze %dma_start3A_106 : memref<1x!tpu.dma_semaphore, #tpu.memory_space<semaphore_mem>> -> memref<!tpu.dma_semaphore, #tpu.memory_space<semaphore_mem>>
    tpu.enqueue_indirect_dma source(%dma_start3A_105 : memref<1000000xf32, #tpu.memory_space<hbm>>) target(%dma_start3A_100 : memref<128xf32, #tpu.memory_space<vmem>>) offsets(%dma_start3A_103 : memref<128xi32, #tpu.memory_space<vmem>>) semaphore(%dma_start3A_107 : memref<!tpu.dma_semaphore, #tpu.memory_space<semaphore_mem>>)
    %dma_start3A_108 = arith.constant 3 : i32
    %dma_start3A_109 = arith.constant 3 : i32
    %dma_start3A_110 = arith.constant 3 : i32
    %dma_start3A_111 = arith.constant 0 : i32
    %dma_start3A_112 = tpu.memref_slice %arg10[%dma_start3A_109, %dma_start3A_111] : memref<4x128xf32, #tpu.memory_space<vmem>> -> memref<1x128xf32, #tpu.memory_space<vmem>>
    %dma_start3A_113 = tpu.memref_squeeze %dma_start3A_112 : memref<1x128xf32, #tpu.memory_space<vmem>> -> memref<128xf32, #tpu.memory_space<vmem>>
    %dma_start3A_114 = arith.constant 0 : i32
    %dma_start3A_115 = tpu.memref_slice %arg8[%dma_start3A_108, %dma_start3A_114] : memref<4x128xi32, #tpu.memory_space<vmem>> -> memref<1x128xi32, #tpu.memory_space<vmem>>
    %dma_start3A_116 = tpu.memref_squeeze %dma_start3A_115 : memref<1x128xi32, #tpu.memory_space<vmem>> -> memref<128xi32, #tpu.memory_space<vmem>>
    %dma_start3A_117 = arith.constant 0 : i32
    %dma_start3A_118 = tpu.memref_slice %arg5[%dma_start3A_117] : memref<1000000xf32, #tpu.memory_space<hbm>> -> memref<1000000xf32, #tpu.memory_space<hbm>>
    %dma_start3A_119 = tpu.memref_slice %arg12[%dma_start3A_110] : memref<4x!tpu.dma_semaphore, #tpu.memory_space<semaphore_mem>> -> memref<1x!tpu.dma_semaphore, #tpu.memory_space<semaphore_mem>>
    %dma_start3A_120 = tpu.memref_squeeze %dma_start3A_119 : memref<1x!tpu.dma_semaphore, #tpu.memory_space<semaphore_mem>> -> memref<!tpu.dma_semaphore, #tpu.memory_space<semaphore_mem>>
    tpu.enqueue_indirect_dma source(%dma_start3A_118 : memref<1000000xf32, #tpu.memory_space<hbm>>) target(%dma_start3A_113 : memref<128xf32, #tpu.memory_space<vmem>>) offsets(%dma_start3A_116 : memref<128xi32, #tpu.memory_space<vmem>>) semaphore(%dma_start3A_120 : memref<!tpu.dma_semaphore, #tpu.memory_space<semaphore_mem>>)
    %dma_wait3A_121 = arith.constant 0 : i32
    %dma_wait3A_122 = arith.constant 0 : i32
    %dma_wait3A_123 = arith.constant 0 : i32
    %dma_wait3A_124 = arith.constant 0 : i32
    %dma_wait3A_125 = tpu.memref_slice %arg9[%dma_wait3A_122, %dma_wait3A_124] : memref<4x128xf32, #tpu.memory_space<vmem>> -> memref<1x128xf32, #tpu.memory_space<vmem>>
    %dma_wait3A_126 = tpu.memref_squeeze %dma_wait3A_125 : memref<1x128xf32, #tpu.memory_space<vmem>> -> memref<128xf32, #tpu.memory_space<vmem>>
    %dma_wait3A_127 = arith.constant 0 : i32
    %dma_wait3A_128 = tpu.memref_slice %arg7[%dma_wait3A_121, %dma_wait3A_127] : memref<4x128xi32, #tpu.memory_space<vmem>> -> memref<1x128xi32, #tpu.memory_space<vmem>>
    %dma_wait3A_129 = tpu.memref_squeeze %dma_wait3A_128 : memref<1x128xi32, #tpu.memory_space<vmem>> -> memref<128xi32, #tpu.memory_space<vmem>>
    %dma_wait3A_130 = arith.constant 0 : i32
    %dma_wait3A_131 = tpu.memref_slice %arg4[%dma_wait3A_130] : memref<1000000xf32, #tpu.memory_space<hbm>> -> memref<1000000xf32, #tpu.memory_space<hbm>>
    %dma_wait3A_132 = tpu.memref_slice %arg12[%dma_wait3A_123] : memref<4x!tpu.dma_semaphore, #tpu.memory_space<semaphore_mem>> -> memref<1x!tpu.dma_semaphore, #tpu.memory_space<semaphore_mem>>
    %dma_wait3A_133 = tpu.memref_squeeze %dma_wait3A_132 : memref<1x!tpu.dma_semaphore, #tpu.memory_space<semaphore_mem>> -> memref<!tpu.dma_semaphore, #tpu.memory_space<semaphore_mem>>
    tpu.wait_indirect_dma semaphore(%dma_wait3A_133 : memref<!tpu.dma_semaphore, #tpu.memory_space<semaphore_mem>>) src(%dma_wait3A_131 : memref<1000000xf32, #tpu.memory_space<hbm>>) dst(%dma_wait3A_126 : memref<128xf32, #tpu.memory_space<vmem>>)
    %dma_wait3A_134 = arith.constant 0 : i32
    %dma_wait3A_135 = arith.constant 0 : i32
    %dma_wait3A_136 = arith.constant 0 : i32
    %dma_wait3A_137 = arith.constant 0 : i32
    %dma_wait3A_138 = tpu.memref_slice %arg10[%dma_wait3A_135, %dma_wait3A_137] : memref<4x128xf32, #tpu.memory_space<vmem>> -> memref<1x128xf32, #tpu.memory_space<vmem>>
    %dma_wait3A_139 = tpu.memref_squeeze %dma_wait3A_138 : memref<1x128xf32, #tpu.memory_space<vmem>> -> memref<128xf32, #tpu.memory_space<vmem>>
    %dma_wait3A_140 = arith.constant 0 : i32
    %dma_wait3A_141 = tpu.memref_slice %arg8[%dma_wait3A_134, %dma_wait3A_140] : memref<4x128xi32, #tpu.memory_space<vmem>> -> memref<1x128xi32, #tpu.memory_space<vmem>>
    %dma_wait3A_142 = tpu.memref_squeeze %dma_wait3A_141 : memref<1x128xi32, #tpu.memory_space<vmem>> -> memref<128xi32, #tpu.memory_space<vmem>>
    %dma_wait3A_143 = arith.constant 0 : i32
    %dma_wait3A_144 = tpu.memref_slice %arg5[%dma_wait3A_143] : memref<1000000xf32, #tpu.memory_space<hbm>> -> memref<1000000xf32, #tpu.memory_space<hbm>>
    %dma_wait3A_145 = tpu.memref_slice %arg12[%dma_wait3A_136] : memref<4x!tpu.dma_semaphore, #tpu.memory_space<semaphore_mem>> -> memref<1x!tpu.dma_semaphore, #tpu.memory_space<semaphore_mem>>
    %dma_wait3A_146 = tpu.memref_squeeze %dma_wait3A_145 : memref<1x!tpu.dma_semaphore, #tpu.memory_space<semaphore_mem>> -> memref<!tpu.dma_semaphore, #tpu.memory_space<semaphore_mem>>
    tpu.wait_indirect_dma semaphore(%dma_wait3A_146 : memref<!tpu.dma_semaphore, #tpu.memory_space<semaphore_mem>>) src(%dma_wait3A_144 : memref<1000000xf32, #tpu.memory_space<hbm>>) dst(%dma_wait3A_139 : memref<128xf32, #tpu.memory_space<vmem>>)
    %get3A = arith.constant 0 : i32
    %get3A_147 = arith.index_cast %get3A : i32 to index
    %get3A_148 = arith.constant 0 : index
    %get3A_149 = tpu.vector_load %arg9[%get3A_147, %get3A_148] {strides = array<i32>} : memref<4x128xf32, #tpu.memory_space<vmem>>, vector<16xf32>,
    %get3A_150 = arith.constant 0 : i32
    %get3A_151 = arith.index_cast %get3A_150 : i32 to index
    %get3A_152 = arith.constant 0 : index
    %get3A_153 = tpu.vector_load %arg10[%get3A_151, %get3A_152] {strides = array<i32>} : memref<4x128xf32, #tpu.memory_space<vmem>>, vector<16xf32>,
    %add3A_154 = arith.addf %get3A_149, %get3A_153 : vector<16xf32>
    %swap3A = arith.constant 0 : i32
    %swap3A_155 = arith.index_cast %swap3A : i32 to index
    %swap3A_156 = arith.constant 0 : index
    %swap3A_157 = tpu.vector_load %arg9[%swap3A_155, %swap3A_156] {strides = array<i32>} : memref<4x128xf32, #tpu.memory_space<vmem>>, vector<16xf32>,
    tpu.vector_store %arg9[%swap3A_155, %swap3A_156], %add3A_154 {strides = array<i32>} : memref<4x128xf32, #tpu.memory_space<vmem>>, vector<16xf32>,
    %get3A_158 = arith.constant 0 : i32
    %get3A_159 = arith.index_cast %get3A_158 : i32 to index
    %get3A_160 = arith.constant 16 : index
    %get3A_161 = tpu.vector_load %arg9[%get3A_159, %get3A_160] {strides = array<i32>} : memref<4x128xf32, #tpu.memory_space<vmem>>, vector<16xf32>,
    %get3A_162 = arith.constant 0 : i32
    %get3A_163 = arith.index_cast %get3A_162 : i32 to index
    %get3A_164 = arith.constant 16 : index
    %get3A_165 = tpu.vector_load %arg10[%get3A_163, %get3A_164] {strides = array<i32>} : memref<4x128xf32, #tpu.memory_space<vmem>>, vector<16xf32>,
    %add3A_166 = arith.addf %get3A_161, %get3A_165 : vector<16xf32>
    %swap3A_167 = arith.constant 0 : i32
    %swap3A_168 = arith.index_cast %swap3A_167 : i32 to index
    %swap3A_169 = arith.constant 16 : index
    %swap3A_170 = tpu.vector_load %arg9[%swap3A_168, %swap3A_169] {strides = array<i32>} : memref<4x128xf32, #tpu.memory_space<vmem>>, vector<16xf32>,
    tpu.vector_store %arg9[%swap3A_168, %swap3A_169], %add3A_166 {strides = array<i32>} : memref<4x128xf32, #tpu.memory_space<vmem>>, vector<16xf32>,
    %get3A_171 = arith.constant 0 : i32
    %get3A_172 = arith.index_cast %get3A_171 : i32 to index
    %get3A_173 = arith.constant 32 : index
    %get3A_174 = tpu.vector_load %arg9[%get3A_172, %get3A_173] {strides = array<i32>} : memref<4x128xf32, #tpu.memory_space<vmem>>, vector<16xf32>,
    %get3A_175 = arith.constant 0 : i32
    %get3A_176 = arith.index_cast %get3A_175 : i32 to index
    %get3A_177 = arith.constant 32 : index
    %get3A_178 = tpu.vector_load %arg10[%get3A_176, %get3A_177] {strides = array<i32>} : memref<4x128xf32, #tpu.memory_space<vmem>>, vector<16xf32>,
    %add3A_179 = arith.addf %get3A_174, %get3A_178 : vector<16xf32>
    %swap3A_180 = arith.constant 0 : i32
    %swap3A_181 = arith.index_cast %swap3A_180 : i32 to index
    %swap3A_182 = arith.constant 32 : index
    %swap3A_183 = tpu.vector_load %arg9[%swap3A_181, %swap3A_182] {strides = array<i32>} : memref<4x128xf32, #tpu.memory_space<vmem>>, vector<16xf32>,
    tpu.vector_store %arg9[%swap3A_181, %swap3A_182], %add3A_179 {strides = array<i32>} : memref<4x128xf32, #tpu.memory_space<vmem>>, vector<16xf32>,
    %get3A_184 = arith.constant 0 : i32
    %get3A_185 = arith.index_cast %get3A_184 : i32 to index
    %get3A_186 = arith.constant 48 : index
    %get3A_187 = tpu.vector_load %arg9[%get3A_185, %get3A_186] {strides = array<i32>} : memref<4x128xf32, #tpu.memory_space<vmem>>, vector<16xf32>,
    %get3A_188 = arith.constant 0 : i32
    %get3A_189 = arith.index_cast %get3A_188 : i32 to index
    %get3A_190 = arith.constant 48 : index
    %get3A_191 = tpu.vector_load %arg10[%get3A_189, %get3A_190] {strides = array<i32>} : memref<4x128xf32, #tpu.memory_space<vmem>>, vector<16xf32>,
    %add3A_192 = arith.addf %get3A_187, %get3A_191 : vector<16xf32>
    %swap3A_193 = arith.constant 0 : i32
    %swap3A_194 = arith.index_cast %swap3A_193 : i32 to index
    %swap3A_195 = arith.constant 48 : index
    %swap3A_196 = tpu.vector_load %arg9[%swap3A_194, %swap3A_195] {strides = array<i32>} : memref<4x128xf32, #tpu.memory_space<vmem>>, vector<16xf32>,
    tpu.vector_store %arg9[%swap3A_194, %swap3A_195], %add3A_192 {strides = array<i32>} : memref<4x128xf32, #tpu.memory_space<vmem>>, vector<16xf32>,
    %get3A_197 = arith.constant 0 : i32
    %get3A_198 = arith.index_cast %get3A_197 : i32 to index
    %get3A_199 = arith.constant 64 : index
    %get3A_200 = tpu.vector_load %arg9[%get3A_198, %get3A_199] {strides = array<i32>} : memref<4x128xf32, #tpu.memory_space<vmem>>, vector<16xf32>,
    %get3A_201 = arith.constant 0 : i32
    %get3A_202 = arith.index_cast %get3A_201 : i32 to index
    %get3A_203 = arith.constant 64 : index
    %get3A_204 = tpu.vector_load %arg10[%get3A_202, %get3A_203] {strides = array<i32>} : memref<4x128xf32, #tpu.memory_space<vmem>>, vector<16xf32>,
    %add3A_205 = arith.addf %get3A_200, %get3A_204 : vector<16xf32>
    %swap3A_206 = arith.constant 0 : i32
    %swap3A_207 = arith.index_cast %swap3A_206 : i32 to index
    %swap3A_208 = arith.constant 64 : index
    %swap3A_209 = tpu.vector_load %arg9[%swap3A_207, %swap3A_208] {strides = array<i32>} : memref<4x128xf32, #tpu.memory_space<vmem>>, vector<16xf32>,
    tpu.vector_store %arg9[%swap3A_207, %swap3A_208], %add3A_205 {strides = array<i32>} : memref<4x128xf32, #tpu.memory_space<vmem>>, vector<16xf32>,
    %get3A_210 = arith.constant 0 : i32
    %get3A_211 = arith.index_cast %get3A_210 : i32 to index
    %get3A_212 = arith.constant 80 : index
    %get3A_213 = tpu.vector_load %arg9[%get3A_211, %get3A_212] {strides = array<i32>} : memref<4x128xf32, #tpu.memory_space<vmem>>, vector<16xf32>,
    %get3A_214 = arith.constant 0 : i32
    %get3A_215 = arith.index_cast %get3A_214 : i32 to index
    %get3A_216 = arith.constant 80 : index
    %get3A_217 = tpu.vector_load %arg10[%get3A_215, %get3A_216] {strides = array<i32>} : memref<4x128xf32, #tpu.memory_space<vmem>>, vector<16xf32>,
    %add3A_218 = arith.addf %get3A_213, %get3A_217 : vector<16xf32>
    %swap3A_219 = arith.constant 0 : i32
    %swap3A_220 = arith.index_cast %swap3A_219 : i32 to index
    %swap3A_221 = arith.constant 80 : index
    %swap3A_222 = tpu.vector_load %arg9[%swap3A_220, %swap3A_221] {strides = array<i32>} : memref<4x128xf32, #tpu.memory_space<vmem>>, vector<16xf32>,
    tpu.vector_store %arg9[%swap3A_220, %swap3A_221], %add3A_218 {strides = array<i32>} : memref<4x128xf32, #tpu.memory_space<vmem>>, vector<16xf32>,
    %get3A_223 = arith.constant 0 : i32
    %get3A_224 = arith.index_cast %get3A_223 : i32 to index
    %get3A_225 = arith.constant 96 : index
    %get3A_226 = tpu.vector_load %arg9[%get3A_224, %get3A_225] {strides = array<i32>} : memref<4x128xf32, #tpu.memory_space<vmem>>, vector<16xf32>,
    %get3A_227 = arith.constant 0 : i32
    %get3A_228 = arith.index_cast %get3A_227 : i32 to index
    %get3A_229 = arith.constant 96 : index
    %get3A_230 = tpu.vector_load %arg10[%get3A_228, %get3A_229] {strides = array<i32>} : memref<4x128xf32, #tpu.memory_space<vmem>>, vector<16xf32>,
    %add3A_231 = arith.addf %get3A_226, %get3A_230 : vector<16xf32>
    %swap3A_232 = arith.constant 0 : i32
    %swap3A_233 = arith.index_cast %swap3A_232 : i32 to index
    %swap3A_234 = arith.constant 96 : index
    %swap3A_235 = tpu.vector_load %arg9[%swap3A_233, %swap3A_234] {strides = array<i32>} : memref<4x128xf32, #tpu.memory_space<vmem>>, vector<16xf32>,
    tpu.vector_store %arg9[%swap3A_233, %swap3A_234], %add3A_231 {strides = array<i32>} : memref<4x128xf32, #tpu.memory_space<vmem>>, vector<16xf32>,
    %get3A_236 = arith.constant 0 : i32
    %get3A_237 = arith.index_cast %get3A_236 : i32 to index
    %get3A_238 = arith.constant 112 : index
    %get3A_239 = tpu.vector_load %arg9[%get3A_237, %get3A_238] {strides = array<i32>} : memref<4x128xf32, #tpu.memory_space<vmem>>, vector<16xf32>,
    %get3A_240 = arith.constant 0 : i32
    %get3A_241 = arith.index_cast %get3A_240 : i32 to index
    %get3A_242 = arith.constant 112 : index
    %get3A_243 = tpu.vector_load %arg10[%get3A_241, %get3A_242] {strides = array<i32>} : memref<4x128xf32, #tpu.memory_space<vmem>>, vector<16xf32>,
    %add3A_244 = arith.addf %get3A_239, %get3A_243 : vector<16xf32>
    %swap3A_245 = arith.constant 0 : i32
    %swap3A_246 = arith.index_cast %swap3A_245 : i32 to index
    %swap3A_247 = arith.constant 112 : index
    %swap3A_248 = tpu.vector_load %arg9[%swap3A_246, %swap3A_247] {strides = array<i32>} : memref<4x128xf32, #tpu.memory_space<vmem>>, vector<16xf32>,
    tpu.vector_store %arg9[%swap3A_246, %swap3A_247], %add3A_244 {strides = array<i32>} : memref<4x128xf32, #tpu.memory_space<vmem>>, vector<16xf32>,
    %add3A_249 = arith.constant 0 : i32
    %add3A_250 = arith.addi %mul3A_2, %add3A_249 : i32
    %dma_start3A_251 = arith.constant 0 : i32
    %dma_start3A_252 = arith.constant 0 : i32
    %dma_start3A_253 = tpu.memref_slice %arg9[%dma_start3A_251, %dma_start3A_252] : memref<4x128xf32, #tpu.memory_space<vmem>> -> memref<1x128xf32, #tpu.memory_space<vmem>>
    %dma_start3A_254 = tpu.memref_squeeze %dma_start3A_253 : memref<1x128xf32, #tpu.memory_space<vmem>> -> memref<128xf32, #tpu.memory_space<vmem>>
    %dma_start3A_255 = arith.constant 0 : i32
    %dma_start3A_256 = tpu.memref_slice %arg6[%add3A_250, %dma_start3A_255] : memref<128x128xf32, #tpu.memory_space<hbm>> -> memref<1x128xf32, #tpu.memory_space<hbm>>
    %dma_start3A_257 = tpu.memref_squeeze %dma_start3A_256 : memref<1x128xf32, #tpu.memory_space<hbm>> -> memref<128xf32, #tpu.memory_space<hbm>>
    %dma_start3A_258 = arith.constant 0 : i32
    %dma_start3A_259 = tpu.memref_slice %arg6[%add3A_250, %dma_start3A_258] : memref<128x128xf32, #tpu.memory_space<hbm>> -> memref<1x128xf32, #tpu.memory_space<hbm>>
    %dma_start3A_260 = tpu.memref_squeeze %dma_start3A_259 : memref<1x128xf32, #tpu.memory_space<hbm>> -> memref<128xf32, #tpu.memory_space<hbm>>
    %dma_start3A_261 = arith.constant 0 : i32
    %dma_start3A_262 = tpu.memref_slice %arg9[%dma_start3A_251, %dma_start3A_261] : memref<4x128xf32, #tpu.memory_space<vmem>> -> memref<1x128xf32, #tpu.memory_space<vmem>>
    %dma_start3A_263 = tpu.memref_squeeze %dma_start3A_262 : memref<1x128xf32, #tpu.memory_space<vmem>> -> memref<128xf32, #tpu.memory_space<vmem>>
    tpu.enqueue_dma source(%dma_start3A_263 : memref<128xf32, #tpu.memory_space<vmem>>) target(%dma_start3A_260 : memref<128xf32, #tpu.memory_space<hbm>>) target_semaphore(%arg13 : memref<!tpu.dma_semaphore, #tpu.memory_space<semaphore_mem>>)
    %dma_wait3A_264 = arith.constant 1 : i32
    %dma_wait3A_265 = arith.constant 1 : i32
    %dma_wait3A_266 = arith.constant 1 : i32
    %dma_wait3A_267 = arith.constant 0 : i32
    %dma_wait3A_268 = tpu.memref_slice %arg9[%dma_wait3A_265, %dma_wait3A_267] : memref<4x128xf32, #tpu.memory_space<vmem>> -> memref<1x128xf32, #tpu.memory_space<vmem>>
    %dma_wait3A_269 = tpu.memref_squeeze %dma_wait3A_268 : memref<1x128xf32, #tpu.memory_space<vmem>> -> memref<128xf32, #tpu.memory_space<vmem>>
    %dma_wait3A_270 = arith.constant 0 : i32
    %dma_wait3A_271 = tpu.memref_slice %arg7[%dma_wait3A_264, %dma_wait3A_270] : memref<4x128xi32, #tpu.memory_space<vmem>> -> memref<1x128xi32, #tpu.memory_space<vmem>>
    %dma_wait3A_272 = tpu.memref_squeeze %dma_wait3A_271 : memref<1x128xi32, #tpu.memory_space<vmem>> -> memref<128xi32, #tpu.memory_space<vmem>>
    %dma_wait3A_273 = arith.constant 0 : i32
    %dma_wait3A_274 = tpu.memref_slice %arg4[%dma_wait3A_273] : memref<1000000xf32, #tpu.memory_space<hbm>> -> memref<1000000xf32, #tpu.memory_space<hbm>>
    %dma_wait3A_275 = tpu.memref_slice %arg12[%dma_wait3A_266] : memref<4x!tpu.dma_semaphore, #tpu.memory_space<semaphore_mem>> -> memref<1x!tpu.dma_semaphore, #tpu.memory_space<semaphore_mem>>
    %dma_wait3A_276 = tpu.memref_squeeze %dma_wait3A_275 : memref<1x!tpu.dma_semaphore, #tpu.memory_space<semaphore_mem>> -> memref<!tpu.dma_semaphore, #tpu.memory_space<semaphore_mem>>
    tpu.wait_indirect_dma semaphore(%dma_wait3A_276 : memref<!tpu.dma_semaphore, #tpu.memory_space<semaphore_mem>>) src(%dma_wait3A_274 : memref<1000000xf32, #tpu.memory_space<hbm>>) dst(%dma_wait3A_269 : memref<128xf32, #tpu.memory_space<vmem>>)
    %dma_wait3A_277 = arith.constant 1 : i32
    %dma_wait3A_278 = arith.constant 1 : i32
    %dma_wait3A_279 = arith.constant 1 : i32
    %dma_wait3A_280 = arith.constant 0 : i32
    %dma_wait3A_281 = tpu.memref_slice %arg10[%dma_wait3A_278, %dma_wait3A_280] : memref<4x128xf32, #tpu.memory_space<vmem>> -> memref<1x128xf32, #tpu.memory_space<vmem>>
    %dma_wait3A_282 = tpu.memref_squeeze %dma_wait3A_281 : memref<1x128xf32, #tpu.memory_space<vmem>> -> memref<128xf32, #tpu.memory_space<vmem>>
    %dma_wait3A_283 = arith.constant 0 : i32
    %dma_wait3A_284 = tpu.memref_slice %arg8[%dma_wait3A_277, %dma_wait3A_283] : memref<4x128xi32, #tpu.memory_space<vmem>> -> memref<1x128xi32, #tpu.memory_space<vmem>>
    %dma_wait3A_285 = tpu.memref_squeeze %dma_wait3A_284 : memref<1x128xi32, #tpu.memory_space<vmem>> -> memref<128xi32, #tpu.memory_space<vmem>>
    %dma_wait3A_286 = arith.constant 0 : i32
    %dma_wait3A_287 = tpu.memref_slice %arg5[%dma_wait3A_286] : memref<1000000xf32, #tpu.memory_space<hbm>> -> memref<1000000xf32, #tpu.memory_space<hbm>>
    %dma_wait3A_288 = tpu.memref_slice %arg12[%dma_wait3A_279] : memref<4x!tpu.dma_semaphore, #tpu.memory_space<semaphore_mem>> -> memref<1x!tpu.dma_semaphore, #tpu.memory_space<semaphore_mem>>
    %dma_wait3A_289 = tpu.memref_squeeze %dma_wait3A_288 : memref<1x!tpu.dma_semaphore, #tpu.memory_space<semaphore_mem>> -> memref<!tpu.dma_semaphore, #tpu.memory_space<semaphore_mem>>
    tpu.wait_indirect_dma semaphore(%dma_wait3A_289 : memref<!tpu.dma_semaphore, #tpu.memory_space<semaphore_mem>>) src(%dma_wait3A_287 : memref<1000000xf32, #tpu.memory_space<hbm>>) dst(%dma_wait3A_282 : memref<128xf32, #tpu.memory_space<vmem>>)
    %get3A_290 = arith.constant 1 : i32
    %get3A_291 = arith.index_cast %get3A_290 : i32 to index
    %get3A_292 = arith.constant 0 : index
    %get3A_293 = tpu.vector_load %arg9[%get3A_291, %get3A_292] {strides = array<i32>} : memref<4x128xf32, #tpu.memory_space<vmem>>, vector<16xf32>,
    %get3A_294 = arith.constant 1 : i32
    %get3A_295 = arith.index_cast %get3A_294 : i32 to index
    %get3A_296 = arith.constant 0 : index
    %get3A_297 = tpu.vector_load %arg10[%get3A_295, %get3A_296] {strides = array<i32>} : memref<4x128xf32, #tpu.memory_space<vmem>>, vector<16xf32>,
    %add3A_298 = arith.addf %get3A_293, %get3A_297 : vector<16xf32>
    %swap3A_299 = arith.constant 1 : i32
    %swap3A_300 = arith.index_cast %swap3A_299 : i32 to index
    %swap3A_301 = arith.constant 0 : index
    %swap3A_302 = tpu.vector_load %arg9[%swap3A_300, %swap3A_301] {strides = array<i32>} : memref<4x128xf32, #tpu.memory_space<vmem>>, vector<16xf32>,
    tpu.vector_store %arg9[%swap3A_300, %swap3A_301], %add3A_298 {strides = array<i32>} : memref<4x128xf32, #tpu.memory_space<vmem>>, vector<16xf32>,
    %get3A_303 = arith.constant 1 : i32
    %get3A_304 = arith.index_cast %get3A_303 : i32 to index
    %get3A_305 = arith.constant 16 : index
    %get3A_306 = tpu.vector_load %arg9[%get3A_304, %get3A_305] {strides = array<i32>} : memref<4x128xf32, #tpu.memory_space<vmem>>, vector<16xf32>,
    %get3A_307 = arith.constant 1 : i32
    %get3A_308 = arith.index_cast %get3A_307 : i32 to index
    %get3A_309 = arith.constant 16 : index
    %get3A_310 = tpu.vector_load %arg10[%get3A_308, %get3A_309] {strides = array<i32>} : memref<4x128xf32, #tpu.memory_space<vmem>>, vector<16xf32>,
    %add3A_311 = arith.addf %get3A_306, %get3A_310 : vector<16xf32>
    %swap3A_312 = arith.constant 1 : i32
    %swap3A_313 = arith.index_cast %swap3A_312 : i32 to index
    %swap3A_314 = arith.constant 16 : index
    %swap3A_315 = tpu.vector_load %arg9[%swap3A_313, %swap3A_314] {strides = array<i32>} : memref<4x128xf32, #tpu.memory_space<vmem>>, vector<16xf32>,
    tpu.vector_store %arg9[%swap3A_313, %swap3A_314], %add3A_311 {strides = array<i32>} : memref<4x128xf32, #tpu.memory_space<vmem>>, vector<16xf32>,
    %get3A_316 = arith.constant 1 : i32
    %get3A_317 = arith.index_cast %get3A_316 : i32 to index
    %get3A_318 = arith.constant 32 : index
    %get3A_319 = tpu.vector_load %arg9[%get3A_317, %get3A_318] {strides = array<i32>} : memref<4x128xf32, #tpu.memory_space<vmem>>, vector<16xf32>,
    %get3A_320 = arith.constant 1 : i32
    %get3A_321 = arith.index_cast %get3A_320 : i32 to index
    %get3A_322 = arith.constant 32 : index
    %get3A_323 = tpu.vector_load %arg10[%get3A_321, %get3A_322] {strides = array<i32>} : memref<4x128xf32, #tpu.memory_space<vmem>>, vector<16xf32>,
    %add3A_324 = arith.addf %get3A_319, %get3A_323 : vector<16xf32>
    %swap3A_325 = arith.constant 1 : i32
    %swap3A_326 = arith.index_cast %swap3A_325 : i32 to index
    %swap3A_327 = arith.constant 32 : index
    %swap3A_328 = tpu.vector_load %arg9[%swap3A_326, %swap3A_327] {strides = array<i32>} : memref<4x128xf32, #tpu.memory_space<vmem>>, vector<16xf32>,
    tpu.vector_store %arg9[%swap3A_326, %swap3A_327], %add3A_324 {strides = array<i32>} : memref<4x128xf32, #tpu.memory_space<vmem>>, vector<16xf32>,
    %get3A_329 = arith.constant 1 : i32
    %get3A_330 = arith.index_cast %get3A_329 : i32 to index
    %get3A_331 = arith.constant 48 : index
    %get3A_332 = tpu.vector_load %arg9[%get3A_330, %get3A_331] {strides = array<i32>} : memref<4x128xf32, #tpu.memory_space<vmem>>, vector<16xf32>,
    %get3A_333 = arith.constant 1 : i32
    %get3A_334 = arith.index_cast %get3A_333 : i32 to index
    %get3A_335 = arith.constant 48 : index
    %get3A_336 = tpu.vector_load %arg10[%get3A_334, %get3A_335] {strides = array<i32>} : memref<4x128xf32, #tpu.memory_space<vmem>>, vector<16xf32>,
    %add3A_337 = arith.addf %get3A_332, %get3A_336 : vector<16xf32>
    %swap3A_338 = arith.constant 1 : i32
    %swap3A_339 = arith.index_cast %swap3A_338 : i32 to index
    %swap3A_340 = arith.constant 48 : index
    %swap3A_341 = tpu.vector_load %arg9[%swap3A_339, %swap3A_340] {strides = array<i32>} : memref<4x128xf32, #tpu.memory_space<vmem>>, vector<16xf32>,
    tpu.vector_store %arg9[%swap3A_339, %swap3A_340], %add3A_337 {strides = array<i32>} : memref<4x128xf32, #tpu.memory_space<vmem>>, vector<16xf32>,
    %get3A_342 = arith.constant 1 : i32
    %get3A_343 = arith.index_cast %get3A_342 : i32 to index
    %get3A_344 = arith.constant 64 : index
    %get3A_345 = tpu.vector_load %arg9[%get3A_343, %get3A_344] {strides = array<i32>} : memref<4x128xf32, #tpu.memory_space<vmem>>, vector<16xf32>,
    %get3A_346 = arith.constant 1 : i32
    %get3A_347 = arith.index_cast %get3A_346 : i32 to index
    %get3A_348 = arith.constant 64 : index
    %get3A_349 = tpu.vector_load %arg10[%get3A_347, %get3A_348] {strides = array<i32>} : memref<4x128xf32, #tpu.memory_space<vmem>>, vector<16xf32>,
    %add3A_350 = arith.addf %get3A_345, %get3A_349 : vector<16xf32>
    %swap3A_351 = arith.constant 1 : i32
    %swap3A_352 = arith.index_cast %swap3A_351 : i32 to index
    %swap3A_353 = arith.constant 64 : index
    %swap3A_354 = tpu.vector_load %arg9[%swap3A_352, %swap3A_353] {strides = array<i32>} : memref<4x128xf32, #tpu.memory_space<vmem>>, vector<16xf32>,
    tpu.vector_store %arg9[%swap3A_352, %swap3A_353], %add3A_350 {strides = array<i32>} : memref<4x128xf32, #tpu.memory_space<vmem>>, vector<16xf32>,
    %get3A_355 = arith.constant 1 : i32
    %get3A_356 = arith.index_cast %get3A_355 : i32 to index
    %get3A_357 = arith.constant 80 : index
    %get3A_358 = tpu.vector_load %arg9[%get3A_356, %get3A_357] {strides = array<i32>} : memref<4x128xf32, #tpu.memory_space<vmem>>, vector<16xf32>,
    %get3A_359 = arith.constant 1 : i32
    %get3A_360 = arith.index_cast %get3A_359 : i32 to index
    %get3A_361 = arith.constant 80 : index
    %get3A_362 = tpu.vector_load %arg10[%get3A_360, %get3A_361] {strides = array<i32>} : memref<4x128xf32, #tpu.memory_space<vmem>>, vector<16xf32>,
    %add3A_363 = arith.addf %get3A_358, %get3A_362 : vector<16xf32>
    %swap3A_364 = arith.constant 1 : i32
    %swap3A_365 = arith.index_cast %swap3A_364 : i32 to index
    %swap3A_366 = arith.constant 80 : index
    %swap3A_367 = tpu.vector_load %arg9[%swap3A_365, %swap3A_366] {strides = array<i32>} : memref<4x128xf32, #tpu.memory_space<vmem>>, vector<16xf32>,
    tpu.vector_store %arg9[%swap3A_365, %swap3A_366], %add3A_363 {strides = array<i32>} : memref<4x128xf32, #tpu.memory_space<vmem>>, vector<16xf32>,
    %get3A_368 = arith.constant 1 : i32
    %get3A_369 = arith.index_cast %get3A_368 : i32 to index
    %get3A_370 = arith.constant 96 : index
    %get3A_371 = tpu.vector_load %arg9[%get3A_369, %get3A_370] {strides = array<i32>} : memref<4x128xf32, #tpu.memory_space<vmem>>, vector<16xf32>,
    %get3A_372 = arith.constant 1 : i32
    %get3A_373 = arith.index_cast %get3A_372 : i32 to index
    %get3A_374 = arith.constant 96 : index
    %get3A_375 = tpu.vector_load %arg10[%get3A_373, %get3A_374] {strides = array<i32>} : memref<4x128xf32, #tpu.memory_space<vmem>>, vector<16xf32>,
    %add3A_376 = arith.addf %get3A_371, %get3A_375 : vector<16xf32>
    %swap3A_377 = arith.constant 1 : i32
    %swap3A_378 = arith.index_cast %swap3A_377 : i32 to index
    %swap3A_379 = arith.constant 96 : index
    %swap3A_380 = tpu.vector_load %arg9[%swap3A_378, %swap3A_379] {strides = array<i32>} : memref<4x128xf32, #tpu.memory_space<vmem>>, vector<16xf32>,
    tpu.vector_store %arg9[%swap3A_378, %swap3A_379], %add3A_376 {strides = array<i32>} : memref<4x128xf32, #tpu.memory_space<vmem>>, vector<16xf32>,
    %get3A_381 = arith.constant 1 : i32
    %get3A_382 = arith.index_cast %get3A_381 : i32 to index
    %get3A_383 = arith.constant 112 : index
    %get3A_384 = tpu.vector_load %arg9[%get3A_382, %get3A_383] {strides = array<i32>} : memref<4x128xf32, #tpu.memory_space<vmem>>, vector<16xf32>,
    %get3A_385 = arith.constant 1 : i32
    %get3A_386 = arith.index_cast %get3A_385 : i32 to index
    %get3A_387 = arith.constant 112 : index
    %get3A_388 = tpu.vector_load %arg10[%get3A_386, %get3A_387] {strides = array<i32>} : memref<4x128xf32, #tpu.memory_space<vmem>>, vector<16xf32>,
    %add3A_389 = arith.addf %get3A_384, %get3A_388 : vector<16xf32>
    %swap3A_390 = arith.constant 1 : i32
    %swap3A_391 = arith.index_cast %swap3A_390 : i32 to index
    %swap3A_392 = arith.constant 112 : index
    %swap3A_393 = tpu.vector_load %arg9[%swap3A_391, %swap3A_392] {strides = array<i32>} : memref<4x128xf32, #tpu.memory_space<vmem>>, vector<16xf32>,
    tpu.vector_store %arg9[%swap3A_391, %swap3A_392], %add3A_389 {strides = array<i32>} : memref<4x128xf32, #tpu.memory_space<vmem>>, vector<16xf32>,
    %add3A_394 = arith.constant 1 : i32
    %add3A_395 = arith.addi %mul3A_2, %add3A_394 : i32
    %dma_start3A_396 = arith.constant 1 : i32
    %dma_start3A_397 = arith.constant 0 : i32
    %dma_start3A_398 = tpu.memref_slice %arg9[%dma_start3A_396, %dma_start3A_397] : memref<4x128xf32, #tpu.memory_space<vmem>> -> memref<1x128xf32, #tpu.memory_space<vmem>>
    %dma_start3A_399 = tpu.memref_squeeze %dma_start3A_398 : memref<1x128xf32, #tpu.memory_space<vmem>> -> memref<128xf32, #tpu.memory_space<vmem>>
    %dma_start3A_400 = arith.constant 0 : i32
    %dma_start3A_401 = tpu.memref_slice %arg6[%add3A_395, %dma_start3A_400] : memref<128x128xf32, #tpu.memory_space<hbm>> -> memref<1x128xf32, #tpu.memory_space<hbm>>
    %dma_start3A_402 = tpu.memref_squeeze %dma_start3A_401 : memref<1x128xf32, #tpu.memory_space<hbm>> -> memref<128xf32, #tpu.memory_space<hbm>>
    %dma_start3A_403 = arith.constant 0 : i32
    %dma_start3A_404 = tpu.memref_slice %arg6[%add3A_395, %dma_start3A_403] : memref<128x128xf32, #tpu.memory_space<hbm>> -> memref<1x128xf32, #tpu.memory_space<hbm>>
    %dma_start3A_405 = tpu.memref_squeeze %dma_start3A_404 : memref<1x128xf32, #tpu.memory_space<hbm>> -> memref<128xf32, #tpu.memory_space<hbm>>
    %dma_start3A_406 = arith.constant 0 : i32
    %dma_start3A_407 = tpu.memref_slice %arg9[%dma_start3A_396, %dma_start3A_406] : memref<4x128xf32, #tpu.memory_space<vmem>> -> memref<1x128xf32, #tpu.memory_space<vmem>>
    %dma_start3A_408 = tpu.memref_squeeze %dma_start3A_407 : memref<1x128xf32, #tpu.memory_space<vmem>> -> memref<128xf32, #tpu.memory_space<vmem>>
    tpu.enqueue_dma source(%dma_start3A_408 : memref<128xf32, #tpu.memory_space<vmem>>) target(%dma_start3A_405 : memref<128xf32, #tpu.memory_space<hbm>>) target_semaphore(%arg13 : memref<!tpu.dma_semaphore, #tpu.memory_space<semaphore_mem>>)
    %dma_wait3A_409 = arith.constant 2 : i32
    %dma_wait3A_410 = arith.constant 2 : i32
    %dma_wait3A_411 = arith.constant 2 : i32
    %dma_wait3A_412 = arith.constant 0 : i32
    %dma_wait3A_413 = tpu.memref_slice %arg9[%dma_wait3A_410, %dma_wait3A_412] : memref<4x128xf32, #tpu.memory_space<vmem>> -> memref<1x128xf32, #tpu.memory_space<vmem>>
    %dma_wait3A_414 = tpu.memref_squeeze %dma_wait3A_413 : memref<1x128xf32, #tpu.memory_space<vmem>> -> memref<128xf32, #tpu.memory_space<vmem>>
    %dma_wait3A_415 = arith.constant 0 : i32
    %dma_wait3A_416 = tpu.memref_slice %arg7[%dma_wait3A_409, %dma_wait3A_415] : memref<4x128xi32, #tpu.memory_space<vmem>> -> memref<1x128xi32, #tpu.memory_space<vmem>>
    %dma_wait3A_417 = tpu.memref_squeeze %dma_wait3A_416 : memref<1x128xi32, #tpu.memory_space<vmem>> -> memref<128xi32, #tpu.memory_space<vmem>>
    %dma_wait3A_418 = arith.constant 0 : i32
    %dma_wait3A_419 = tpu.memref_slice %arg4[%dma_wait3A_418] : memref<1000000xf32, #tpu.memory_space<hbm>> -> memref<1000000xf32, #tpu.memory_space<hbm>>
    %dma_wait3A_420 = tpu.memref_slice %arg12[%dma_wait3A_411] : memref<4x!tpu.dma_semaphore, #tpu.memory_space<semaphore_mem>> -> memref<1x!tpu.dma_semaphore, #tpu.memory_space<semaphore_mem>>
    %dma_wait3A_421 = tpu.memref_squeeze %dma_wait3A_420 : memref<1x!tpu.dma_semaphore, #tpu.memory_space<semaphore_mem>> -> memref<!tpu.dma_semaphore, #tpu.memory_space<semaphore_mem>>
    tpu.wait_indirect_dma semaphore(%dma_wait3A_421 : memref<!tpu.dma_semaphore, #tpu.memory_space<semaphore_mem>>) src(%dma_wait3A_419 : memref<1000000xf32, #tpu.memory_space<hbm>>) dst(%dma_wait3A_414 : memref<128xf32, #tpu.memory_space<vmem>>)
    %dma_wait3A_422 = arith.constant 2 : i32
    %dma_wait3A_423 = arith.constant 2 : i32
    %dma_wait3A_424 = arith.constant 2 : i32
    %dma_wait3A_425 = arith.constant 0 : i32
    %dma_wait3A_426 = tpu.memref_slice %arg10[%dma_wait3A_423, %dma_wait3A_425] : memref<4x128xf32, #tpu.memory_space<vmem>> -> memref<1x128xf32, #tpu.memory_space<vmem>>
    %dma_wait3A_427 = tpu.memref_squeeze %dma_wait3A_426 : memref<1x128xf32, #tpu.memory_space<vmem>> -> memref<128xf32, #tpu.memory_space<vmem>>
    %dma_wait3A_428 = arith.constant 0 : i32
    %dma_wait3A_429 = tpu.memref_slice %arg8[%dma_wait3A_422, %dma_wait3A_428] : memref<4x128xi32, #tpu.memory_space<vmem>> -> memref<1x128xi32, #tpu.memory_space<vmem>>
    %dma_wait3A_430 = tpu.memref_squeeze %dma_wait3A_429 : memref<1x128xi32, #tpu.memory_space<vmem>> -> memref<128xi32, #tpu.memory_space<vmem>>
    %dma_wait3A_431 = arith.constant 0 : i32
    %dma_wait3A_432 = tpu.memref_slice %arg5[%dma_wait3A_431] : memref<1000000xf32, #tpu.memory_space<hbm>> -> memref<1000000xf32, #tpu.memory_space<hbm>>
    %dma_wait3A_433 = tpu.memref_slice %arg12[%dma_wait3A_424] : memref<4x!tpu.dma_semaphore, #tpu.memory_space<semaphore_mem>> -> memref<1x!tpu.dma_semaphore, #tpu.memory_space<semaphore_mem>>
    %dma_wait3A_434 = tpu.memref_squeeze %dma_wait3A_433 : memref<1x!tpu.dma_semaphore, #tpu.memory_space<semaphore_mem>> -> memref<!tpu.dma_semaphore, #tpu.memory_space<semaphore_mem>>
    tpu.wait_indirect_dma semaphore(%dma_wait3A_434 : memref<!tpu.dma_semaphore, #tpu.memory_space<semaphore_mem>>) src(%dma_wait3A_432 : memref<1000000xf32, #tpu.memory_space<hbm>>) dst(%dma_wait3A_427 : memref<128xf32, #tpu.memory_space<vmem>>)
    %get3A_435 = arith.constant 2 : i32
    %get3A_436 = arith.index_cast %get3A_435 : i32 to index
    %get3A_437 = arith.constant 0 : index
    %get3A_438 = tpu.vector_load %arg9[%get3A_436, %get3A_437] {strides = array<i32>} : memref<4x128xf32, #tpu.memory_space<vmem>>, vector<16xf32>,
    %get3A_439 = arith.constant 2 : i32
    %get3A_440 = arith.index_cast %get3A_439 : i32 to index
    %get3A_441 = arith.constant 0 : index
    %get3A_442 = tpu.vector_load %arg10[%get3A_440, %get3A_441] {strides = array<i32>} : memref<4x128xf32, #tpu.memory_space<vmem>>, vector<16xf32>,
    %add3A_443 = arith.addf %get3A_438, %get3A_442 : vector<16xf32>
    %swap3A_444 = arith.constant 2 : i32
    %swap3A_445 = arith.index_cast %swap3A_444 : i32 to index
    %swap3A_446 = arith.constant 0 : index
    %swap3A_447 = tpu.vector_load %arg9[%swap3A_445, %swap3A_446] {strides = array<i32>} : memref<4x128xf32, #tpu.memory_space<vmem>>, vector<16xf32>,
    tpu.vector_store %arg9[%swap3A_445, %swap3A_446], %add3A_443 {strides = array<i32>} : memref<4x128xf32, #tpu.memory_space<vmem>>, vector<16xf32>,
    %get3A_448 = arith.constant 2 : i32
    %get3A_449 = arith.index_cast %get3A_448 : i32 to index
    %get3A_450 = arith.constant 16 : index
    %get3A_451 = tpu.vector_load %arg9[%get3A_449, %get3A_450] {strides = array<i32>} : memref<4x128xf32, #tpu.memory_space<vmem>>, vector<16xf32>,
    %get3A_452 = arith.constant 2 : i32
    %get3A_453 = arith.index_cast %get3A_452 : i32 to index
    %get3A_454 = arith.constant 16 : index
    %get3A_455 = tpu.vector_load %arg10[%get3A_453, %get3A_454] {strides = array<i32>} : memref<4x128xf32, #tpu.memory_space<vmem>>, vector<16xf32>,
    %add3A_456 = arith.addf %get3A_451, %get3A_455 : vector<16xf32>
    %swap3A_457 = arith.constant 2 : i32
    %swap3A_458 = arith.index_cast %swap3A_457 : i32 to index
    %swap3A_459 = arith.constant 16 : index
    %swap3A_460 = tpu.vector_load %arg9[%swap3A_458, %swap3A_459] {strides = array<i32>} : memref<4x128xf32, #tpu.memory_space<vmem>>, vector<16xf32>,
    tpu.vector_store %arg9[%swap3A_458, %swap3A_459], %add3A_456 {strides = array<i32>} : memref<4x128xf32, #tpu.memory_space<vmem>>, vector<16xf32>,
    %get3A_461 = arith.constant 2 : i32
    %get3A_462 = arith.index_cast %get3A_461 : i32 to index
    %get3A_463 = arith.constant 32 : index
    %get3A_464 = tpu.vector_load %arg9[%get3A_462, %get3A_463] {strides = array<i32>} : memref<4x128xf32, #tpu.memory_space<vmem>>, vector<16xf32>,
    %get3A_465 = arith.constant 2 : i32
    %get3A_466 = arith.index_cast %get3A_465 : i32 to index
    %get3A_467 = arith.constant 32 : index
    %get3A_468 = tpu.vector_load %arg10[%get3A_466, %get3A_467] {strides = array<i32>} : memref<4x128xf32, #tpu.memory_space<vmem>>, vector<16xf32>,
    %add3A_469 = arith.addf %get3A_464, %get3A_468 : vector<16xf32>
    %swap3A_470 = arith.constant 2 : i32
    %swap3A_471 = arith.index_cast %swap3A_470 : i32 to index
    %swap3A_472 = arith.constant 32 : index
    %swap3A_473 = tpu.vector_load %arg9[%swap3A_471, %swap3A_472] {strides = array<i32>} : memref<4x128xf32, #tpu.memory_space<vmem>>, vector<16xf32>,
    tpu.vector_store %arg9[%swap3A_471, %swap3A_472], %add3A_469 {strides = array<i32>} : memref<4x128xf32, #tpu.memory_space<vmem>>, vector<16xf32>,
    %get3A_474 = arith.constant 2 : i32
    %get3A_475 = arith.index_cast %get3A_474 : i32 to index
    %get3A_476 = arith.constant 48 : index
    %get3A_477 = tpu.vector_load %arg9[%get3A_475, %get3A_476] {strides = array<i32>} : memref<4x128xf32, #tpu.memory_space<vmem>>, vector<16xf32>,
    %get3A_478 = arith.constant 2 : i32
    %get3A_479 = arith.index_cast %get3A_478 : i32 to index
    %get3A_480 = arith.constant 48 : index
    %get3A_481 = tpu.vector_load %arg10[%get3A_479, %get3A_480] {strides = array<i32>} : memref<4x128xf32, #tpu.memory_space<vmem>>, vector<16xf32>,
    %add3A_482 = arith.addf %get3A_477, %get3A_481 : vector<16xf32>
    %swap3A_483 = arith.constant 2 : i32
    %swap3A_484 = arith.index_cast %swap3A_483 : i32 to index
    %swap3A_485 = arith.constant 48 : index
    %swap3A_486 = tpu.vector_load %arg9[%swap3A_484, %swap3A_485] {strides = array<i32>} : memref<4x128xf32, #tpu.memory_space<vmem>>, vector<16xf32>,
    tpu.vector_store %arg9[%swap3A_484, %swap3A_485], %add3A_482 {strides = array<i32>} : memref<4x128xf32, #tpu.memory_space<vmem>>, vector<16xf32>,
    %get3A_487 = arith.constant 2 : i32
    %get3A_488 = arith.index_cast %get3A_487 : i32 to index
    %get3A_489 = arith.constant 64 : index
    %get3A_490 = tpu.vector_load %arg9[%get3A_488, %get3A_489] {strides = array<i32>} : memref<4x128xf32, #tpu.memory_space<vmem>>, vector<16xf32>,
    %get3A_491 = arith.constant 2 : i32
    %get3A_492 = arith.index_cast %get3A_491 : i32 to index
    %get3A_493 = arith.constant 64 : index
    %get3A_494 = tpu.vector_load %arg10[%get3A_492, %get3A_493] {strides = array<i32>} : memref<4x128xf32, #tpu.memory_space<vmem>>, vector<16xf32>,
    %add3A_495 = arith.addf %get3A_490, %get3A_494 : vector<16xf32>
    %swap3A_496 = arith.constant 2 : i32
    %swap3A_497 = arith.index_cast %swap3A_496 : i32 to index
    %swap3A_498 = arith.constant 64 : index
    %swap3A_499 = tpu.vector_load %arg9[%swap3A_497, %swap3A_498] {strides = array<i32>} : memref<4x128xf32, #tpu.memory_space<vmem>>, vector<16xf32>,
    tpu.vector_store %arg9[%swap3A_497, %swap3A_498], %add3A_495 {strides = array<i32>} : memref<4x128xf32, #tpu.memory_space<vmem>>, vector<16xf32>,
    %get3A_500 = arith.constant 2 : i32
    %get3A_501 = arith.index_cast %get3A_500 : i32 to index
    %get3A_502 = arith.constant 80 : index
    %get3A_503 = tpu.vector_load %arg9[%get3A_501, %get3A_502] {strides = array<i32>} : memref<4x128xf32, #tpu.memory_space<vmem>>, vector<16xf32>,
    %get3A_504 = arith.constant 2 : i32
    %get3A_505 = arith.index_cast %get3A_504 : i32 to index
    %get3A_506 = arith.constant 80 : index
    %get3A_507 = tpu.vector_load %arg10[%get3A_505, %get3A_506] {strides = array<i32>} : memref<4x128xf32, #tpu.memory_space<vmem>>, vector<16xf32>,
    %add3A_508 = arith.addf %get3A_503, %get3A_507 : vector<16xf32>
    %swap3A_509 = arith.constant 2 : i32
    %swap3A_510 = arith.index_cast %swap3A_509 : i32 to index
    %swap3A_511 = arith.constant 80 : index
    %swap3A_512 = tpu.vector_load %arg9[%swap3A_510, %swap3A_511] {strides = array<i32>} : memref<4x128xf32, #tpu.memory_space<vmem>>, vector<16xf32>,
    tpu.vector_store %arg9[%swap3A_510, %swap3A_511], %add3A_508 {strides = array<i32>} : memref<4x128xf32, #tpu.memory_space<vmem>>, vector<16xf32>,
    %get3A_513 = arith.constant 2 : i32
    %get3A_514 = arith.index_cast %get3A_513 : i32 to index
    %get3A_515 = arith.constant 96 : index
    %get3A_516 = tpu.vector_load %arg9[%get3A_514, %get3A_515] {strides = array<i32>} : memref<4x128xf32, #tpu.memory_space<vmem>>, vector<16xf32>,
    %get3A_517 = arith.constant 2 : i32
    %get3A_518 = arith.index_cast %get3A_517 : i32 to index
    %get3A_519 = arith.constant 96 : index
    %get3A_520 = tpu.vector_load %arg10[%get3A_518, %get3A_519] {strides = array<i32>} : memref<4x128xf32, #tpu.memory_space<vmem>>, vector<16xf32>,
    %add3A_521 = arith.addf %get3A_516, %get3A_520 : vector<16xf32>
    %swap3A_522 = arith.constant 2 : i32
    %swap3A_523 = arith.index_cast %swap3A_522 : i32 to index
    %swap3A_524 = arith.constant 96 : index
    %swap3A_525 = tpu.vector_load %arg9[%swap3A_523, %swap3A_524] {strides = array<i32>} : memref<4x128xf32, #tpu.memory_space<vmem>>, vector<16xf32>,
    tpu.vector_store %arg9[%swap3A_523, %swap3A_524], %add3A_521 {strides = array<i32>} : memref<4x128xf32, #tpu.memory_space<vmem>>, vector<16xf32>,
    %get3A_526 = arith.constant 2 : i32
    %get3A_527 = arith.index_cast %get3A_526 : i32 to index
    %get3A_528 = arith.constant 112 : index
    %get3A_529 = tpu.vector_load %arg9[%get3A_527, %get3A_528] {strides = array<i32>} : memref<4x128xf32, #tpu.memory_space<vmem>>, vector<16xf32>,
    %get3A_530 = arith.constant 2 : i32
    %get3A_531 = arith.index_cast %get3A_530 : i32 to index
    %get3A_532 = arith.constant 112 : index
    %get3A_533 = tpu.vector_load %arg10[%get3A_531, %get3A_532] {strides = array<i32>} : memref<4x128xf32, #tpu.memory_space<vmem>>, vector<16xf32>,
    %add3A_534 = arith.addf %get3A_529, %get3A_533 : vector<16xf32>
    %swap3A_535 = arith.constant 2 : i32
    %swap3A_536 = arith.index_cast %swap3A_535 : i32 to index
    %swap3A_537 = arith.constant 112 : index
    %swap3A_538 = tpu.vector_load %arg9[%swap3A_536, %swap3A_537] {strides = array<i32>} : memref<4x128xf32, #tpu.memory_space<vmem>>, vector<16xf32>,
    tpu.vector_store %arg9[%swap3A_536, %swap3A_537], %add3A_534 {strides = array<i32>} : memref<4x128xf32, #tpu.memory_space<vmem>>, vector<16xf32>,
    %add3A_539 = arith.constant 2 : i32
    %add3A_540 = arith.addi %mul3A_2, %add3A_539 : i32
    %dma_start3A_541 = arith.constant 2 : i32
    %dma_start3A_542 = arith.constant 0 : i32
    %dma_start3A_543 = tpu.memref_slice %arg9[%dma_start3A_541, %dma_start3A_542] : memref<4x128xf32, #tpu.memory_space<vmem>> -> memref<1x128xf32, #tpu.memory_space<vmem>>
    %dma_start3A_544 = tpu.memref_squeeze %dma_start3A_543 : memref<1x128xf32, #tpu.memory_space<vmem>> -> memref<128xf32, #tpu.memory_space<vmem>>
    %dma_start3A_545 = arith.constant 0 : i32
    %dma_start3A_546 = tpu.memref_slice %arg6[%add3A_540, %dma_start3A_545] : memref<128x128xf32, #tpu.memory_space<hbm>> -> memref<1x128xf32, #tpu.memory_space<hbm>>
    %dma_start3A_547 = tpu.memref_squeeze %dma_start3A_546 : memref<1x128xf32, #tpu.memory_space<hbm>> -> memref<128xf32, #tpu.memory_space<hbm>>
    %dma_start3A_548 = arith.constant 0 : i32
    %dma_start3A_549 = tpu.memref_slice %arg6[%add3A_540, %dma_start3A_548] : memref<128x128xf32, #tpu.memory_space<hbm>> -> memref<1x128xf32, #tpu.memory_space<hbm>>
    %dma_start3A_550 = tpu.memref_squeeze %dma_start3A_549 : memref<1x128xf32, #tpu.memory_space<hbm>> -> memref<128xf32, #tpu.memory_space<hbm>>
    %dma_start3A_551 = arith.constant 0 : i32
    %dma_start3A_552 = tpu.memref_slice %arg9[%dma_start3A_541, %dma_start3A_551] : memref<4x128xf32, #tpu.memory_space<vmem>> -> memref<1x128xf32, #tpu.memory_space<vmem>>
    %dma_start3A_553 = tpu.memref_squeeze %dma_start3A_552 : memref<1x128xf32, #tpu.memory_space<vmem>> -> memref<128xf32, #tpu.memory_space<vmem>>
    tpu.enqueue_dma source(%dma_start3A_553 : memref<128xf32, #tpu.memory_space<vmem>>) target(%dma_start3A_550 : memref<128xf32, #tpu.memory_space<hbm>>) target_semaphore(%arg13 : memref<!tpu.dma_semaphore, #tpu.memory_space<semaphore_mem>>)
    %dma_wait3A_554 = arith.constant 3 : i32
    %dma_wait3A_555 = arith.constant 3 : i32
    %dma_wait3A_556 = arith.constant 3 : i32
    %dma_wait3A_557 = arith.constant 0 : i32
    %dma_wait3A_558 = tpu.memref_slice %arg9[%dma_wait3A_555, %dma_wait3A_557] : memref<4x128xf32, #tpu.memory_space<vmem>> -> memref<1x128xf32, #tpu.memory_space<vmem>>
    %dma_wait3A_559 = tpu.memref_squeeze %dma_wait3A_558 : memref<1x128xf32, #tpu.memory_space<vmem>> -> memref<128xf32, #tpu.memory_space<vmem>>
    %dma_wait3A_560 = arith.constant 0 : i32
    %dma_wait3A_561 = tpu.memref_slice %arg7[%dma_wait3A_554, %dma_wait3A_560] : memref<4x128xi32, #tpu.memory_space<vmem>> -> memref<1x128xi32, #tpu.memory_space<vmem>>
    %dma_wait3A_562 = tpu.memref_squeeze %dma_wait3A_561 : memref<1x128xi32, #tpu.memory_space<vmem>> -> memref<128xi32, #tpu.memory_space<vmem>>
    %dma_wait3A_563 = arith.constant 0 : i32
    %dma_wait3A_564 = tpu.memref_slice %arg4[%dma_wait3A_563] : memref<1000000xf32, #tpu.memory_space<hbm>> -> memref<1000000xf32, #tpu.memory_space<hbm>>
    %dma_wait3A_565 = tpu.memref_slice %arg12[%dma_wait3A_556] : memref<4x!tpu.dma_semaphore, #tpu.memory_space<semaphore_mem>> -> memref<1x!tpu.dma_semaphore, #tpu.memory_space<semaphore_mem>>
    %dma_wait3A_566 = tpu.memref_squeeze %dma_wait3A_565 : memref<1x!tpu.dma_semaphore, #tpu.memory_space<semaphore_mem>> -> memref<!tpu.dma_semaphore, #tpu.memory_space<semaphore_mem>>
    tpu.wait_indirect_dma semaphore(%dma_wait3A_566 : memref<!tpu.dma_semaphore, #tpu.memory_space<semaphore_mem>>) src(%dma_wait3A_564 : memref<1000000xf32, #tpu.memory_space<hbm>>) dst(%dma_wait3A_559 : memref<128xf32, #tpu.memory_space<vmem>>)
    %dma_wait3A_567 = arith.constant 3 : i32
    %dma_wait3A_568 = arith.constant 3 : i32
    %dma_wait3A_569 = arith.constant 3 : i32
    %dma_wait3A_570 = arith.constant 0 : i32
    %dma_wait3A_571 = tpu.memref_slice %arg10[%dma_wait3A_568, %dma_wait3A_570] : memref<4x128xf32, #tpu.memory_space<vmem>> -> memref<1x128xf32, #tpu.memory_space<vmem>>
    %dma_wait3A_572 = tpu.memref_squeeze %dma_wait3A_571 : memref<1x128xf32, #tpu.memory_space<vmem>> -> memref<128xf32, #tpu.memory_space<vmem>>
    %dma_wait3A_573 = arith.constant 0 : i32
    %dma_wait3A_574 = tpu.memref_slice %arg8[%dma_wait3A_567, %dma_wait3A_573] : memref<4x128xi32, #tpu.memory_space<vmem>> -> memref<1x128xi32, #tpu.memory_space<vmem>>
    %dma_wait3A_575 = tpu.memref_squeeze %dma_wait3A_574 : memref<1x128xi32, #tpu.memory_space<vmem>> -> memref<128xi32, #tpu.memory_space<vmem>>
    %dma_wait3A_576 = arith.constant 0 : i32
    %dma_wait3A_577 = tpu.memref_slice %arg5[%dma_wait3A_576] : memref<1000000xf32, #tpu.memory_space<hbm>> -> memref<1000000xf32, #tpu.memory_space<hbm>>
    %dma_wait3A_578 = tpu.memref_slice %arg12[%dma_wait3A_569] : memref<4x!tpu.dma_semaphore, #tpu.memory_space<semaphore_mem>> -> memref<1x!tpu.dma_semaphore, #tpu.memory_space<semaphore_mem>>
    %dma_wait3A_579 = tpu.memref_squeeze %dma_wait3A_578 : memref<1x!tpu.dma_semaphore, #tpu.memory_space<semaphore_mem>> -> memref<!tpu.dma_semaphore, #tpu.memory_space<semaphore_mem>>
    tpu.wait_indirect_dma semaphore(%dma_wait3A_579 : memref<!tpu.dma_semaphore, #tpu.memory_space<semaphore_mem>>) src(%dma_wait3A_577 : memref<1000000xf32, #tpu.memory_space<hbm>>) dst(%dma_wait3A_572 : memref<128xf32, #tpu.memory_space<vmem>>)
    %get3A_580 = arith.constant 3 : i32
    %get3A_581 = arith.index_cast %get3A_580 : i32 to index
    %get3A_582 = arith.constant 0 : index
    %get3A_583 = tpu.vector_load %arg9[%get3A_581, %get3A_582] {strides = array<i32>} : memref<4x128xf32, #tpu.memory_space<vmem>>, vector<16xf32>,
    %get3A_584 = arith.constant 3 : i32
    %get3A_585 = arith.index_cast %get3A_584 : i32 to index
    %get3A_586 = arith.constant 0 : index
    %get3A_587 = tpu.vector_load %arg10[%get3A_585, %get3A_586] {strides = array<i32>} : memref<4x128xf32, #tpu.memory_space<vmem>>, vector<16xf32>,
    %add3A_588 = arith.addf %get3A_583, %get3A_587 : vector<16xf32>
    %swap3A_589 = arith.constant 3 : i32
    %swap3A_590 = arith.index_cast %swap3A_589 : i32 to index
    %swap3A_591 = arith.constant 0 : index
    %swap3A_592 = tpu.vector_load %arg9[%swap3A_590, %swap3A_591] {strides = array<i32>} : memref<4x128xf32, #tpu.memory_space<vmem>>, vector<16xf32>,
    tpu.vector_store %arg9[%swap3A_590, %swap3A_591], %add3A_588 {strides = array<i32>} : memref<4x128xf32, #tpu.memory_space<vmem>>, vector<16xf32>,
    %get3A_593 = arith.constant 3 : i32
    %get3A_594 = arith.index_cast %get3A_593 : i32 to index
    %get3A_595 = arith.constant 16 : index
    %get3A_596 = tpu.vector_load %arg9[%get3A_594, %get3A_595] {strides = array<i32>} : memref<4x128xf32, #tpu.memory_space<vmem>>, vector<16xf32>,
    %get3A_597 = arith.constant 3 : i32
    %get3A_598 = arith.index_cast %get3A_597 : i32 to index
    %get3A_599 = arith.constant 16 : index
    %get3A_600 = tpu.vector_load %arg10[%get3A_598, %get3A_599] {strides = array<i32>} : memref<4x128xf32, #tpu.memory_space<vmem>>, vector<16xf32>,
    %add3A_601 = arith.addf %get3A_596, %get3A_600 : vector<16xf32>
    %swap3A_602 = arith.constant 3 : i32
    %swap3A_603 = arith.index_cast %swap3A_602 : i32 to index
    %swap3A_604 = arith.constant 16 : index
    %swap3A_605 = tpu.vector_load %arg9[%swap3A_603, %swap3A_604] {strides = array<i32>} : memref<4x128xf32, #tpu.memory_space<vmem>>, vector<16xf32>,
    tpu.vector_store %arg9[%swap3A_603, %swap3A_604], %add3A_601 {strides = array<i32>} : memref<4x128xf32, #tpu.memory_space<vmem>>, vector<16xf32>,
    %get3A_606 = arith.constant 3 : i32
    %get3A_607 = arith.index_cast %get3A_606 : i32 to index
    %get3A_608 = arith.constant 32 : index
    %get3A_609 = tpu.vector_load %arg9[%get3A_607, %get3A_608] {strides = array<i32>} : memref<4x128xf32, #tpu.memory_space<vmem>>, vector<16xf32>,
    %get3A_610 = arith.constant 3 : i32
    %get3A_611 = arith.index_cast %get3A_610 : i32 to index
    %get3A_612 = arith.constant 32 : index
    %get3A_613 = tpu.vector_load %arg10[%get3A_611, %get3A_612] {strides = array<i32>} : memref<4x128xf32, #tpu.memory_space<vmem>>, vector<16xf32>,
    %add3A_614 = arith.addf %get3A_609, %get3A_613 : vector<16xf32>
    %swap3A_615 = arith.constant 3 : i32
    %swap3A_616 = arith.index_cast %swap3A_615 : i32 to index
    %swap3A_617 = arith.constant 32 : index
    %swap3A_618 = tpu.vector_load %arg9[%swap3A_616, %swap3A_617] {strides = array<i32>} : memref<4x128xf32, #tpu.memory_space<vmem>>, vector<16xf32>,
    tpu.vector_store %arg9[%swap3A_616, %swap3A_617], %add3A_614 {strides = array<i32>} : memref<4x128xf32, #tpu.memory_space<vmem>>, vector<16xf32>,
    %get3A_619 = arith.constant 3 : i32
    %get3A_620 = arith.index_cast %get3A_619 : i32 to index
    %get3A_621 = arith.constant 48 : index
    %get3A_622 = tpu.vector_load %arg9[%get3A_620, %get3A_621] {strides = array<i32>} : memref<4x128xf32, #tpu.memory_space<vmem>>, vector<16xf32>,
    %get3A_623 = arith.constant 3 : i32
    %get3A_624 = arith.index_cast %get3A_623 : i32 to index
    %get3A_625 = arith.constant 48 : index
    %get3A_626 = tpu.vector_load %arg10[%get3A_624, %get3A_625] {strides = array<i32>} : memref<4x128xf32, #tpu.memory_space<vmem>>, vector<16xf32>,
    %add3A_627 = arith.addf %get3A_622, %get3A_626 : vector<16xf32>
    %swap3A_628 = arith.constant 3 : i32
    %swap3A_629 = arith.index_cast %swap3A_628 : i32 to index
    %swap3A_630 = arith.constant 48 : index
    %swap3A_631 = tpu.vector_load %arg9[%swap3A_629, %swap3A_630] {strides = array<i32>} : memref<4x128xf32, #tpu.memory_space<vmem>>, vector<16xf32>,
    tpu.vector_store %arg9[%swap3A_629, %swap3A_630], %add3A_627 {strides = array<i32>} : memref<4x128xf32, #tpu.memory_space<vmem>>, vector<16xf32>,
    %get3A_632 = arith.constant 3 : i32
    %get3A_633 = arith.index_cast %get3A_632 : i32 to index
    %get3A_634 = arith.constant 64 : index
    %get3A_635 = tpu.vector_load %arg9[%get3A_633, %get3A_634] {strides = array<i32>} : memref<4x128xf32, #tpu.memory_space<vmem>>, vector<16xf32>,
    %get3A_636 = arith.constant 3 : i32
    %get3A_637 = arith.index_cast %get3A_636 : i32 to index
    %get3A_638 = arith.constant 64 : index
    %get3A_639 = tpu.vector_load %arg10[%get3A_637, %get3A_638] {strides = array<i32>} : memref<4x128xf32, #tpu.memory_space<vmem>>, vector<16xf32>,
    %add3A_640 = arith.addf %get3A_635, %get3A_639 : vector<16xf32>
    %swap3A_641 = arith.constant 3 : i32
    %swap3A_642 = arith.index_cast %swap3A_641 : i32 to index
    %swap3A_643 = arith.constant 64 : index
    %swap3A_644 = tpu.vector_load %arg9[%swap3A_642, %swap3A_643] {strides = array<i32>} : memref<4x128xf32, #tpu.memory_space<vmem>>, vector<16xf32>,
    tpu.vector_store %arg9[%swap3A_642, %swap3A_643], %add3A_640 {strides = array<i32>} : memref<4x128xf32, #tpu.memory_space<vmem>>, vector<16xf32>,
    %get3A_645 = arith.constant 3 : i32
    %get3A_646 = arith.index_cast %get3A_645 : i32 to index
    %get3A_647 = arith.constant 80 : index
    %get3A_648 = tpu.vector_load %arg9[%get3A_646, %get3A_647] {strides = array<i32>} : memref<4x128xf32, #tpu.memory_space<vmem>>, vector<16xf32>,
    %get3A_649 = arith.constant 3 : i32
    %get3A_650 = arith.index_cast %get3A_649 : i32 to index
    %get3A_651 = arith.constant 80 : index
    %get3A_652 = tpu.vector_load %arg10[%get3A_650, %get3A_651] {strides = array<i32>} : memref<4x128xf32, #tpu.memory_space<vmem>>, vector<16xf32>,
    %add3A_653 = arith.addf %get3A_648, %get3A_652 : vector<16xf32>
    %swap3A_654 = arith.constant 3 : i32
    %swap3A_655 = arith.index_cast %swap3A_654 : i32 to index
    %swap3A_656 = arith.constant 80 : index
    %swap3A_657 = tpu.vector_load %arg9[%swap3A_655, %swap3A_656] {strides = array<i32>} : memref<4x128xf32, #tpu.memory_space<vmem>>, vector<16xf32>,
    tpu.vector_store %arg9[%swap3A_655, %swap3A_656], %add3A_653 {strides = array<i32>} : memref<4x128xf32, #tpu.memory_space<vmem>>, vector<16xf32>,
    %get3A_658 = arith.constant 3 : i32
    %get3A_659 = arith.index_cast %get3A_658 : i32 to index
    %get3A_660 = arith.constant 96 : index
    %get3A_661 = tpu.vector_load %arg9[%get3A_659, %get3A_660] {strides = array<i32>} : memref<4x128xf32, #tpu.memory_space<vmem>>, vector<16xf32>,
    %get3A_662 = arith.constant 3 : i32
    %get3A_663 = arith.index_cast %get3A_662 : i32 to index
    %get3A_664 = arith.constant 96 : index
    %get3A_665 = tpu.vector_load %arg10[%get3A_663, %get3A_664] {strides = array<i32>} : memref<4x128xf32, #tpu.memory_space<vmem>>, vector<16xf32>,
    %add3A_666 = arith.addf %get3A_661, %get3A_665 : vector<16xf32>
    %swap3A_667 = arith.constant 3 : i32
    %swap3A_668 = arith.index_cast %swap3A_667 : i32 to index
    %swap3A_669 = arith.constant 96 : index
    %swap3A_670 = tpu.vector_load %arg9[%swap3A_668, %swap3A_669] {strides = array<i32>} : memref<4x128xf32, #tpu.memory_space<vmem>>, vector<16xf32>,
    tpu.vector_store %arg9[%swap3A_668, %swap3A_669], %add3A_666 {strides = array<i32>} : memref<4x128xf32, #tpu.memory_space<vmem>>, vector<16xf32>,
    %get3A_671 = arith.constant 3 : i32
    %get3A_672 = arith.index_cast %get3A_671 : i32 to index
    %get3A_673 = arith.constant 112 : index
    %get3A_674 = tpu.vector_load %arg9[%get3A_672, %get3A_673] {strides = array<i32>} : memref<4x128xf32, #tpu.memory_space<vmem>>, vector<16xf32>,
    %get3A_675 = arith.constant 3 : i32
    %get3A_676 = arith.index_cast %get3A_675 : i32 to index
    %get3A_677 = arith.constant 112 : index
    %get3A_678 = tpu.vector_load %arg10[%get3A_676, %get3A_677] {strides = array<i32>} : memref<4x128xf32, #tpu.memory_space<vmem>>, vector<16xf32>,
    %add3A_679 = arith.addf %get3A_674, %get3A_678 : vector<16xf32>
    %swap3A_680 = arith.constant 3 : i32
    %swap3A_681 = arith.index_cast %swap3A_680 : i32 to index
    %swap3A_682 = arith.constant 112 : index
    %swap3A_683 = tpu.vector_load %arg9[%swap3A_681, %swap3A_682] {strides = array<i32>} : memref<4x128xf32, #tpu.memory_space<vmem>>, vector<16xf32>,
    tpu.vector_store %arg9[%swap3A_681, %swap3A_682], %add3A_679 {strides = array<i32>} : memref<4x128xf32, #tpu.memory_space<vmem>>, vector<16xf32>,
    %add3A_684 = arith.constant 3 : i32
    %add3A_685 = arith.addi %mul3A_2, %add3A_684 : i32
    %dma_start3A_686 = arith.constant 3 : i32
    %dma_start3A_687 = arith.constant 0 : i32
    %dma_start3A_688 = tpu.memref_slice %arg9[%dma_start3A_686, %dma_start3A_687] : memref<4x128xf32, #tpu.memory_space<vmem>> -> memref<1x128xf32, #tpu.memory_space<vmem>>
    %dma_start3A_689 = tpu.memref_squeeze %dma_start3A_688 : memref<1x128xf32, #tpu.memory_space<vmem>> -> memref<128xf32, #tpu.memory_space<vmem>>
    %dma_start3A_690 = arith.constant 0 : i32
    %dma_start3A_691 = tpu.memref_slice %arg6[%add3A_685, %dma_start3A_690] : memref<128x128xf32, #tpu.memory_space<hbm>> -> memref<1x128xf32, #tpu.memory_space<hbm>>
    %dma_start3A_692 = tpu.memref_squeeze %dma_start3A_691 : memref<1x128xf32, #tpu.memory_space<hbm>> -> memref<128xf32, #tpu.memory_space<hbm>>
    %dma_start3A_693 = arith.constant 0 : i32
    %dma_start3A_694 = tpu.memref_slice %arg6[%add3A_685, %dma_start3A_693] : memref<128x128xf32, #tpu.memory_space<hbm>> -> memref<1x128xf32, #tpu.memory_space<hbm>>
    %dma_start3A_695 = tpu.memref_squeeze %dma_start3A_694 : memref<1x128xf32, #tpu.memory_space<hbm>> -> memref<128xf32, #tpu.memory_space<hbm>>
    %dma_start3A_696 = arith.constant 0 : i32
    %dma_start3A_697 = tpu.memref_slice %arg9[%dma_start3A_686, %dma_start3A_696] : memref<4x128xf32, #tpu.memory_space<vmem>> -> memref<1x128xf32, #tpu.memory_space<vmem>>
    %dma_start3A_698 = tpu.memref_squeeze %dma_start3A_697 : memref<1x128xf32, #tpu.memory_space<vmem>> -> memref<128xf32, #tpu.memory_space<vmem>>
    tpu.enqueue_dma source(%dma_start3A_698 : memref<128xf32, #tpu.memory_space<vmem>>) target(%dma_start3A_695 : memref<128xf32, #tpu.memory_space<hbm>>) target_semaphore(%arg13 : memref<!tpu.dma_semaphore, #tpu.memory_space<semaphore_mem>>)
    %dma_wait3A_699 = arith.constant 0 : i32
    %dma_wait3A_700 = arith.constant 0 : i32
    %dma_wait3A_701 = tpu.memref_slice %arg9[%dma_wait3A_699, %dma_wait3A_700] : memref<4x128xf32, #tpu.memory_space<vmem>> -> memref<1x128xf32, #tpu.memory_space<vmem>>
    %dma_wait3A_702 = tpu.memref_squeeze %dma_wait3A_701 : memref<1x128xf32, #tpu.memory_space<vmem>> -> memref<128xf32, #tpu.memory_space<vmem>>
    %dma_wait3A_703 = arith.constant 0 : i32
    %dma_wait3A_704 = tpu.memref_slice %arg6[%add3A_250, %dma_wait3A_703] : memref<128x128xf32, #tpu.memory_space<hbm>> -> memref<1x128xf32, #tpu.memory_space<hbm>>
    %dma_wait3A_705 = tpu.memref_squeeze %dma_wait3A_704 : memref<1x128xf32, #tpu.memory_space<hbm>> -> memref<128xf32, #tpu.memory_space<hbm>>
    %dma_wait3A_706 = arith.constant 0 : i32
    %dma_wait3A_707 = tpu.memref_slice %arg6[%add3A_250, %dma_wait3A_706] : memref<128x128xf32, #tpu.memory_space<hbm>> -> memref<1x128xf32, #tpu.memory_space<hbm>>
    %dma_wait3A_708 = tpu.memref_squeeze %dma_wait3A_707 : memref<1x128xf32, #tpu.memory_space<hbm>> -> memref<128xf32, #tpu.memory_space<hbm>>
    %dma_wait3A_709 = arith.constant 0 : i32
    %dma_wait3A_710 = tpu.memref_slice %arg9[%dma_wait3A_699, %dma_wait3A_709] : memref<4x128xf32, #tpu.memory_space<vmem>> -> memref<1x128xf32, #tpu.memory_space<vmem>>
    %dma_wait3A_711 = tpu.memref_squeeze %dma_wait3A_710 : memref<1x128xf32, #tpu.memory_space<vmem>> -> memref<128xf32, #tpu.memory_space<vmem>>
    tpu.wait_dma2 semaphore(%arg13 : memref<!tpu.dma_semaphore, #tpu.memory_space<semaphore_mem>>) src(%dma_wait3A_711 : memref<128xf32, #tpu.memory_space<vmem>>) dst(%dma_wait3A_708 : memref<128xf32, #tpu.memory_space<hbm>>)
    %dma_wait3A_712 = arith.constant 1 : i32
    %dma_wait3A_713 = arith.constant 0 : i32
    %dma_wait3A_714 = tpu.memref_slice %arg9[%dma_wait3A_712, %dma_wait3A_713] : memref<4x128xf32, #tpu.memory_space<vmem>> -> memref<1x128xf32, #tpu.memory_space<vmem>>
    %dma_wait3A_715 = tpu.memref_squeeze %dma_wait3A_714 : memref<1x128xf32, #tpu.memory_space<vmem>> -> memref<128xf32, #tpu.memory_space<vmem>>
    %dma_wait3A_716 = arith.constant 0 : i32
    %dma_wait3A_717 = tpu.memref_slice %arg6[%add3A_395, %dma_wait3A_716] : memref<128x128xf32, #tpu.memory_space<hbm>> -> memref<1x128xf32, #tpu.memory_space<hbm>>
    %dma_wait3A_718 = tpu.memref_squeeze %dma_wait3A_717 : memref<1x128xf32, #tpu.memory_space<hbm>> -> memref<128xf32, #tpu.memory_space<hbm>>
    %dma_wait3A_719 = arith.constant 0 : i32
    %dma_wait3A_720 = tpu.memref_slice %arg6[%add3A_395, %dma_wait3A_719] : memref<128x128xf32, #tpu.memory_space<hbm>> -> memref<1x128xf32, #tpu.memory_space<hbm>>
    %dma_wait3A_721 = tpu.memref_squeeze %dma_wait3A_720 : memref<1x128xf32, #tpu.memory_space<hbm>> -> memref<128xf32, #tpu.memory_space<hbm>>
    %dma_wait3A_722 = arith.constant 0 : i32
    %dma_wait3A_723 = tpu.memref_slice %arg9[%dma_wait3A_712, %dma_wait3A_722] : memref<4x128xf32, #tpu.memory_space<vmem>> -> memref<1x128xf32, #tpu.memory_space<vmem>>
    %dma_wait3A_724 = tpu.memref_squeeze %dma_wait3A_723 : memref<1x128xf32, #tpu.memory_space<vmem>> -> memref<128xf32, #tpu.memory_space<vmem>>
    tpu.wait_dma2 semaphore(%arg13 : memref<!tpu.dma_semaphore, #tpu.memory_space<semaphore_mem>>) src(%dma_wait3A_724 : memref<128xf32, #tpu.memory_space<vmem>>) dst(%dma_wait3A_721 : memref<128xf32, #tpu.memory_space<hbm>>)
    %dma_wait3A_725 = arith.constant 2 : i32
    %dma_wait3A_726 = arith.constant 0 : i32
    %dma_wait3A_727 = tpu.memref_slice %arg9[%dma_wait3A_725, %dma_wait3A_726] : memref<4x128xf32, #tpu.memory_space<vmem>> -> memref<1x128xf32, #tpu.memory_space<vmem>>
    %dma_wait3A_728 = tpu.memref_squeeze %dma_wait3A_727 : memref<1x128xf32, #tpu.memory_space<vmem>> -> memref<128xf32, #tpu.memory_space<vmem>>
    %dma_wait3A_729 = arith.constant 0 : i32
    %dma_wait3A_730 = tpu.memref_slice %arg6[%add3A_540, %dma_wait3A_729] : memref<128x128xf32, #tpu.memory_space<hbm>> -> memref<1x128xf32, #tpu.memory_space<hbm>>
    %dma_wait3A_731 = tpu.memref_squeeze %dma_wait3A_730 : memref<1x128xf32, #tpu.memory_space<hbm>> -> memref<128xf32, #tpu.memory_space<hbm>>
    %dma_wait3A_732 = arith.constant 0 : i32
    %dma_wait3A_733 = tpu.memref_slice %arg6[%add3A_540, %dma_wait3A_732] : memref<128x128xf32, #tpu.memory_space<hbm>> -> memref<1x128xf32, #tpu.memory_space<hbm>>
    %dma_wait3A_734 = tpu.memref_squeeze %dma_wait3A_733 : memref<1x128xf32, #tpu.memory_space<hbm>> -> memref<128xf32, #tpu.memory_space<hbm>>
    %dma_wait3A_735 = arith.constant 0 : i32
    %dma_wait3A_736 = tpu.memref_slice %arg9[%dma_wait3A_725, %dma_wait3A_735] : memref<4x128xf32, #tpu.memory_space<vmem>> -> memref<1x128xf32, #tpu.memory_space<vmem>>
    %dma_wait3A_737 = tpu.memref_squeeze %dma_wait3A_736 : memref<1x128xf32, #tpu.memory_space<vmem>> -> memref<128xf32, #tpu.memory_space<vmem>>
    tpu.wait_dma2 semaphore(%arg13 : memref<!tpu.dma_semaphore, #tpu.memory_space<semaphore_mem>>) src(%dma_wait3A_737 : memref<128xf32, #tpu.memory_space<vmem>>) dst(%dma_wait3A_734 : memref<128xf32, #tpu.memory_space<hbm>>)
    %dma_wait3A_738 = arith.constant 3 : i32
    %dma_wait3A_739 = arith.constant 0 : i32
    %dma_wait3A_740 = tpu.memref_slice %arg9[%dma_wait3A_738, %dma_wait3A_739] : memref<4x128xf32, #tpu.memory_space<vmem>> -> memref<1x128xf32, #tpu.memory_space<vmem>>
    %dma_wait3A_741 = tpu.memref_squeeze %dma_wait3A_740 : memref<1x128xf32, #tpu.memory_space<vmem>> -> memref<128xf32, #tpu.memory_space<vmem>>
    %dma_wait3A_742 = arith.constant 0 : i32
    %dma_wait3A_743 = tpu.memref_slice %arg6[%add3A_685, %dma_wait3A_742] : memref<128x128xf32, #tpu.memory_space<hbm>> -> memref<1x128xf32, #tpu.memory_space<hbm>>
    %dma_wait3A_744 = tpu.memref_squeeze %dma_wait3A_743 : memref<1x128xf32, #tpu.memory_space<hbm>> -> memref<128xf32, #tpu.memory_space<hbm>>
    %dma_wait3A_745 = arith.constant 0 : i32
    %dma_wait3A_746 = tpu.memref_slice %arg6[%add3A_685, %dma_wait3A_745] : memref<128x128xf32, #tpu.memory_space<hbm>> -> memref<1x128xf32, #tpu.memory_space<hbm>>
    %dma_wait3A_747 = tpu.memref_squeeze %dma_wait3A_746 : memref<1x128xf32, #tpu.memory_space<hbm>> -> memref<128xf32, #tpu.memory_space<hbm>>
    %dma_wait3A_748 = arith.constant 0 : i32
    %dma_wait3A_749 = tpu.memref_slice %arg9[%dma_wait3A_738, %dma_wait3A_748] : memref<4x128xf32, #tpu.memory_space<vmem>> -> memref<1x128xf32, #tpu.memory_space<vmem>>
    %dma_wait3A_750 = tpu.memref_squeeze %dma_wait3A_749 : memref<1x128xf32, #tpu.memory_space<vmem>> -> memref<128xf32, #tpu.memory_space<vmem>>
    tpu.wait_dma2 semaphore(%arg13 : memref<!tpu.dma_semaphore, #tpu.memory_space<semaphore_mem>>) src(%dma_wait3A_750 : memref<128xf32, #tpu.memory_space<vmem>>) dst(%dma_wait3A_747 : memref<128xf32, #tpu.memory_space<hbm>>)
    return
  }
}

module attributes {stable_mosaic.version = 14 : i64} {
  func.func @_tc_dense_body(%arg0: i32, %arg1: memref<64x8192xf32, #tpu.memory_space<vmem>>, %arg2: memref<64x8192xf32, #tpu.memory_space<vmem>>, %arg3: memref<1x64xf32, #tpu.memory_space<vmem>>, %arg4: memref<1xf32, #tpu.memory_space<smem>>, %arg5: memref<64x128xf32, #tpu.memory_space<vmem>>) attributes {dimension_semantics = [#tpu.dimension_semantics<arbitrary>], iteration_bounds = array<i64: 2>, scalar_prefetch = 0 : i64, scratch_operands = 0 : i64, tpu.core_type = #tpu.core_type<tc>, window_params = [{transform_indices = @transform_0, window_bounds = array<i64: 64, 8192>}, {transform_indices = @transform_1, window_bounds = array<i64: 64, 8192>}, {pipeline_mode = #tpu.pipeline_mode<synchronous>, transform_indices = @transform_2, window_bounds = array<i64: 1, 64>}, {transform_indices = @transform_3, window_bounds = array<i64: 1>}, {transform_indices = @transform_4, window_bounds = array<i64: 64, 128>}]} {
    %get3A = arith.constant 0 : index
    %get3A_0 = arith.constant 0 : index
    %get3A_1 = vector.load %arg1[%get3A, %get3A_0] : memref<64x8192xf32, #tpu.memory_space<vmem>>, vector<64x8192xf32>
    %get3A_2 = arith.constant 0 : index
    %get3A_3 = arith.constant 0 : index
    %get3A_4 = vector.load %arg2[%get3A_2, %get3A_3] : memref<64x8192xf32, #tpu.memory_space<vmem>>, vector<64x8192xf32>
    %mul3A = arith.mulf %get3A_1, %get3A_4 : vector<64x8192xf32>
    %get3A_5 = arith.constant 0 : index
    %get3A_6 = arith.constant 0 : index
    %get3A_7 = vector.load %arg3[%get3A_5, %get3A_6] : memref<1x64xf32, #tpu.memory_space<vmem>>, vector<1x64xf32>
    %dot_general3A = arith.constant dense<0.000000e+00> : vector<1x8192xf32>
    %dot_general3A_8 = tpu.matmul %get3A_7, %mul3A, %dot_general3A {dimension_numbers = #tpu.dot_dimension_numbers<[1], [0], [0], [1], [0, 0, 1, 1], [], []>, transpose_lhs_hint = false} : vector<1x64xf32>, vector<64x8192xf32>, vector<1x8192xf32> -> vector<1x8192xf32>
    %get3A_9 = arith.constant 0 : index
    %get3A_10 = memref.load %arg4[%get3A_9] : memref<1xf32, #tpu.memory_space<smem>>
    %add3A = vector.broadcast %get3A_10 : f32 to vector<1x8192xf32>
    %add3A_11 = arith.addf %dot_general3A_8, %add3A : vector<1x8192xf32>
    %reshape3A = vector.shape_cast %add3A_11 : vector<1x8192xf32> to vector<64x128xf32>
    %swap3A = arith.constant 0 : index
    %swap3A_12 = arith.constant 0 : index
    %swap3A_13 = vector.load %arg5[%swap3A, %swap3A_12] : memref<64x128xf32, #tpu.memory_space<vmem>>, vector<64x128xf32>
    tpu.vector_store %arg5[%swap3A, %swap3A_12], %reshape3A {strides = array<i32>} : memref<64x128xf32, #tpu.memory_space<vmem>>, vector<64x128xf32>,
    return
  }
  func.func @transform_0(%arg0: i32) -> (i32, i32) {
    %c0_i32 = arith.constant 0 : i32
    %c0_i32_0 = arith.constant 0 : i32
    return %c0_i32, %arg0 : i32, i32
  }
  func.func @transform_1(%arg0: i32) -> (i32, i32) {
    %c0_i32 = arith.constant 0 : i32
    %c0_i32_0 = arith.constant 0 : i32
    return %c0_i32, %arg0 : i32, i32
  }
  func.func @transform_2(%arg0: i32) -> (i32, i32) {
    %c0_i32 = arith.constant 0 : i32
    %c0_i32_0 = arith.constant 0 : i32
    %c0_i32_1 = arith.constant 0 : i32
    return %c0_i32, %c0_i32_0 : i32, i32
  }
  func.func @transform_3(%arg0: i32) -> i32 {
    %c0_i32 = arith.constant 0 : i32
    %c0_i32_0 = arith.constant 0 : i32
    return %c0_i32 : i32
  }
  func.func @transform_4(%arg0: i32) -> (i32, i32) {
    %c0_i32 = arith.constant 0 : i32
    %c0_i32_0 = arith.constant 0 : i32
    return %arg0, %c0_i32 : i32, i32
  }
}

</mosaic_0001>

<sc_bundles>
// kernel: kernel.4.cloned.1.call-start
scs
__scs_entry_jumppad:
0x0: {  	(pc) =	sbr.rel $0x88, $3  }
0x1: {  	(tag) =	ssettag $0x0;
	lr =	simm.s32 $0x1  }
0x2: {  	[smem:$0x3F99] =	sst lr;
	_ =	strace $0xD0000000  }
0x3: {  	_ = 	snop  }
0x4: {  	_ = 	snop  }
0x5: {  	_ = 	snop  }
0x6: {  	_ = 	snop  }
0x7: {  	_ = 	snop  }
__scs_overlays_trampoline_lowered:
0x8: {  	[smem:$0x3FA8] =	sst s0  }
0x9: {  	[smem:$0x3FA9] =	sst s1  }
0xa: {  	[smem:$0x3FAA] =	sst s2  }
0xb: {  	[smem:$0x3FAB] =	sst s3  }
0xc: {  	[smem:$0x3FAC] =	sst s4  }
0xd: {  	[smem:$0x3FAD] =	sst s5  }
0xe: {  	[smem:$0x3FAE] =	sst s6  }
0xf: {  	[smem:$0x3FAF] =	sst s7  }
0x10: {  	[smem:$0x3FB0] =	sst s8  }
0x11: {  	[smem:$0x3FB1] =	sst s9;
	s0 =	simm.s32 @!p0 $0x0  }
0x12: {  	s1 =	sld [smem:$0x3F97];
	s0 =	simm.s32 @p0 $0x1  }
0x13: {  	[smem:$0x3FB2] =	sst s0;
	s0 =	simm.s32 @!p1 $0x0  }
0x14: {  	s2 =	sld [smem:$0x3F96];
	s0 =	simm.s32 @p1 $0x1  }
0x15: {  	[smem:$0x3FB3] =	sst s0;
	s0 =	simm.s32 @!p2 $0x0  }
0x16: {  	s3 =	sld [smem:$0x3FDB];
	s0 =	simm.s32 @p2 $0x1  }
0x17: {  	s4 =	simm.s32 $0x1BF5;
	[smem:$0x3FB5] =	sst s0  }
0x18: {  	s0 =	sld [smem:$0x3F98];
	_ =	swait.ge [sflag:s4], $0x0  }
0x19: {  	s7 =	sld [smem:$0x3F99]  }
0x1a: {  	s8 =	sadd.s32 $0xFFFFE003, lr  }
0x1b: {  	s9 =	sadd.s32 $0xFFFFFEF7, lr;
	s5 =	simm.s32 $0xFFFFFFFF;
	p2 =	slt.u32 s8, $0xFFFFF086  }
0x1c: {  	p1 =	slt.u32 s9, $0xF7A;
	s5 =	simm.s32 @!p2 $0x0  }
0x1d: {  	s5 =	simm.s32 @p1 $0x1;
	p0 =	seq.s32 s7, s2  }
0x1e: {  	s7 =	smul.u32 @!p0 $0xF7A, s2;
	p2 =	seq.s32 @!p0 s5, $0x0  }
0x1f: {  	s9 =	smul.u32 $0xF7A, s1;
	s8 =	simm.s32 @!p0 $0x1BF5;
	p2 =	por !p2, p0  }
0x20: {  	[sflag:s8] =	ssyncset.s32 @!p0 $0xFFFFF086;
	s6 =	sadd.s32 @!p0 s3, s7;
	s7 =	simm.s32 @!p0 $0x108  }
0x21: {  	s3 =	sadd.s32 s3, s9;
	s6 =	sadd.s32 @!p0 $0x88, s6;
	s7 =	simm.s32 @p2 $0x1082  }
0x22: {  	[simem:s7], [sflag:s8] =	dma.local @!p0 [hbm:s6], $0xF7A  }
0x23: {  	s9 =	sor.u32 $0xD0000000, s2;
	s6 =	simm.s32 $0x108;
	_ =	swait.ge @!p0 [sflag:s8], $0x0  }
0x24: {  	s3 =	sadd.s32 $0x88, s3;
	s6 =	simm.s32 @!p1 $0x1082;
	[sflag:s4] =	ssyncset.s32 $0xFFFFF086  }
0x25: {  	[simem:s6], [sflag:s4] =	dma.local [hbm:s3], $0xF7A  }
0x26: {  	[smem:$0x3F99] =	sst s1;
	(tag) =	ssettag s2;
	_ =	strace s9  }
0x27: {  	s1 =	sld [smem:$0x3FA9]  }
0x28: {  	s2 =	sld [smem:$0x3FAA]  }
0x29: {  	s4 =	sld [smem:$0x3FAC]  }
0x2a: {  	p0 =	seq.s32 s5, $0x0;
	s5 =	sld [smem:$0x3FAD]  }
0x2b: {  	s6 =	sld [smem:$0x3FAE]  }
0x2c: {  	s7 =	sld [smem:$0x3FAF]  }
0x2d: {  	s3 =	simm.s32 $0x108;
	s8 =	sld [smem:$0x3FB0]  }
0x2e: {  	s3 =	simm.s32 @!p0 $0x1082;
	s9 =	sld [smem:$0x3FB1]  }
0x2f: {  	lr =	sadd.s32 s0, s3;
	s0 =	sld [smem:$0x3FA8]  }
0x30: {  	s3 =	sld [smem:$0x3FAB]  }
0x31: {  	[smem:$0x3FB4] =	sst s10  }
0x32: {  	s10 =	sld [smem:$0x3FB2];
	_ =	sdelay $0x3  }
0x33: {  	p0 =	seq.s32 s10, $0x1;
	s10 =	sld [smem:$0x3FB4];
	_ =	sdelay $0x3  }
0x34: {  	[smem:$0x3FB4] =	sst s10  }
0x35: {  	s10 =	sld [smem:$0x3FB3];
	_ =	sdelay $0x3  }
0x36: {  	p1 =	seq.s32 s10, $0x1;
	s10 =	sld [smem:$0x3FB4];
	_ =	sdelay $0x3  }
0x37: {  	[smem:$0x3FB4] =	sst s10  }
0x38: {  	s10 =	sld [smem:$0x3FB5]  }
0x39: {  	_ = 	snop;
	(pc) =	sbr.ind lr, $3  }
0x3a: {  	_ = 	snop  }
0x3b: {  	_ = 	snop  }
0x3c: {  	p2 =	seq.s32 s10, $0x1;
	s10 =	sld [smem:$0x3FB4]  }
0x3d: {  	_ =	shalt  }
0x3e: {  	_ =	shalt  }
0x3f: {  	_ =	shalt  }
0x40: {  	_ =	shalt  }
0x41: {  	_ =	shalt  }
0x42: {  	_ =	shalt  }
0x43: {  	_ =	shalt  }
0x44: {  	_ =	shalt  }
0x45: {  	_ =	shalt  }
0x46: {  	_ =	shalt  }
0x47: {  	_ =	shalt  }
0x48: {  	_ =	shalt  }
0x49: {  	_ =	shalt  }
0x4a: {  	_ =	shalt  }
0x4b: {  	_ =	shalt  }
0x4c: {  	_ =	shalt  }
0x4d: {  	_ =	shalt  }
0x4e: {  	_ =	shalt  }
0x4f: {  	_ =	shalt  }
0x50: {  	_ =	shalt  }
0x51: {  	_ =	shalt  }
0x52: {  	_ =	shalt  }
0x53: {  	_ =	shalt  }
0x54: {  	_ =	shalt  }
0x55: {  	_ =	shalt  }
0x56: {  	_ =	shalt  }
0x57: {  	_ =	shalt  }
0x58: {  	_ =	shalt  }
0x59: {  	_ =	shalt  }
0x5a: {  	_ =	shalt  }
0x5b: {  	_ =	shalt  }
0x5c: {  	_ =	shalt  }
0x5d: {  	_ =	shalt  }
0x5e: {  	_ =	shalt  }
0x5f: {  	_ =	shalt  }
0x60: {  	_ =	shalt  }
0x61: {  	_ =	shalt  }
0x62: {  	_ =	shalt  }
0x63: {  	_ =	shalt  }
0x64: {  	_ =	shalt  }
0x65: {  	_ =	shalt  }
0x66: {  	_ =	shalt  }
0x67: {  	_ =	shalt  }
0x68: {  	_ =	shalt  }
0x69: {  	_ =	shalt  }
0x6a: {  	_ =	shalt  }
0x6b: {  	_ =	shalt  }
0x6c: {  	_ =	shalt  }
0x6d: {  	_ =	shalt  }
0x6e: {  	_ =	shalt  }
0x6f: {  	_ =	shalt  }
0x70: {  	_ =	shalt  }
0x71: {  	_ =	shalt  }
0x72: {  	_ =	shalt  }
0x73: {  	_ =	shalt  }
0x74: {  	_ =	shalt  }
0x75: {  	_ =	shalt  }
0x76: {  	_ =	shalt  }
0x77: {  	_ =	shalt  }
0x78: {  	_ =	shalt  }
0x79: {  	_ =	shalt  }
0x7a: {  	_ =	shalt  }
0x7b: {  	_ =	shalt  }
0x7c: {  	_ =	shalt  }
0x7d: {  	_ =	shalt  }
0x7e: {  	_ =	shalt  }
0x7f: {  	_ =	shalt  }
0x80: {  	_ =	shalt  }
0x81: {  	_ =	shalt  }
0x82: {  	_ =	shalt  }
0x83: {  	_ =	shalt  }
0x84: {  	_ =	shalt  }
0x85: {  	_ =	shalt  }
0x86: {  	_ =	shalt  }
0x87: {  	_ =	shalt  }
.Lfunc_end0:
.L_simem_size_0:
called_computation_lowered:
.L_overlay_start_0:
0x88: {  	s2 =	sld [smem:$0x3FD9]  }
0x89: {  	s3 =	sld [smem:$0x3FFE];
	_ =	sdelay $0x1  }
0x8a: {  	s1 =	srdreg.scid  }
0x8b: {  	s0 =	sand.u32 $0x1, s1  }
0x8c: {  	s18 =	sshll.u32 s0, $0xA;
	s2 =	sadd.s32 s3, s2  }
0x8d: {  	s2 =	sadd.s32 s2, s18  }
0x8e: {  	[smem:$0x3FC0] =	sst s2  }
0x8f: {  	_ = 	snop  }
0x90: {  	s2 =	sld [smem:$0x3FC8]  }
0x91: {  	s19 =	sld [smem:$0x3FC6]  }
0x92: {  	s4 =	sld [smem:$0x3FC3]  }
0x93: {  	s5 =	sld [smem:$0x3FC2]  }
0x94: {  	s6 =	sld [smem:$0x3FD0];
	(tm) =	ssettm $0x1  }
0x95: {  	s7 =	sld [smem:$0x3FFB];
	_ =	sdelay $0x3  }
0x96: {  	_ =	strace s7  }
0x97: {  	s7 =	sld [smem:$0x3FFC];
	_ =	sdelay $0x3  }
0x98: {  	_ =	strace s7  }
0x99: {  	s7 =	sld [smem:$0x3FFD];
	_ =	sdelay $0x3  }
0x9a: {  	_ =	strace s7  }
0x9b: {  	_ =	strace $0x8FFFFFFF  }
0x9c: {  	s20 =	sld [smem:$0x3FDB];
	_ =	sdelay $0x1  }
0x9d: {  	s8 =	simm.s32 $_scs_section_size  }
0x9e: {  	s9 =	simm.s32 $_size__tile_overlayer_lowered;
	s10 =	simm.s32 $_tile_overlayer_lowered  }
0x9f: {  	s23 =	simm.s32 $0x1BFF;
	s22 =	sshll.u32 s10, $0x1;
	s7 =	sadd.s32 s8, s20  }
0xa0: {  	s11 =	simm.s32 $0x0;
	s21 =	sshll.u32 s9, $0x1;
	s9 =	sadd.s32 s22, s7  }
0xa1: {  	[timem:s11], [sflag:s23] =	dma.local [hbm:s9], s21  }
0xa2: {  	_ =	swait.ge [sflag:s23], s21  }
0xa3: {  	s8 =	ssub.s32 $0x0, s21;
	[sflag:s23] =	ssyncset.done $0x0  }
0xa4: {  	[sflag:s23] =	ssyncadd.s32 s8;
	_ =	sdelay $0x1  }
0xa5: {  	s24 =	simm.s32 $0x1B8B  }
0xa6: {  	_ =	swait.ge [sflag:s24], $0x1  }
0xa7: {  	[sflag:s24] =	ssyncset.done $0x0  }
0xa8: {  	s25 =	simm.s32 $0x1B8E;
	[sflag:s24] =	ssyncadd.s32 $0xFFFFFFFF  }
0xa9: {  	s26 =	simm.s32 $execute0_lowered;
	[smem:$0x3FD2] =	sst s25  }
0xaa: {  	s8 =	sshll.u32 s26, $0x1;
	_ =	strace $0x80000046;
	[dreg:$0x1] =	wrdreg $0xFFFFFFFF  }
0xab: {  	s28 =	simm.s32 $_size_execute0_lowered;
	s7 =	sadd.s32 s7, s8;
	[dreg:$0x0] =	wrdreg $0x0  }
0xac: {  	s8 =	sshll.u32 s28, $0x1;
	[dreg:$0x2] =	wrdreg s7  }
0xad: {  	[dreg:$0x3] =	wrdreg s8  }
0xae: {  	[dreg:$0x4] =	wrdreg $0xC0  }
0xaf: {  	_ =	task [dreg:s11], $0x5FFFF  }
0xb0: {  	[dreg:$0x1] =	wrdreg $0xFFFFFFFF  }
0xb1: {  	[dreg:$0x0] =	wrdreg $0x60  }
0xb2: {  	[dreg:$0x2] =	wrdreg s2  }
0xb3: {  	[dreg:$0x3] =	wrdreg s19  }
0xb4: {  	[dreg:$0x4] =	wrdreg s4  }
0xb5: {  	[dreg:$0x5] =	wrdreg s5  }
0xb6: {  	[dreg:$0x6] =	wrdreg s6  }
0xb7: {  	[dreg:$0x7] =	wrdreg $0x9  }
0xb8: {  	_ =	task.clear_ibuf [dreg:s11], $0x8FFFF;
	_ =	strace $0x90000046  }
0xb9: {  	s29 =	simm.s32 $0x9;
	_ =	strace $0x80000048  }
0xba: {  	_ =	swait.ge [sflag:s29], $0x1  }
0xbb: {  	[sflag:s29] =	ssyncadd.s32 $0xFFFFFFFF  }
0xbc: {  	_ =	strace $0x90000048  }
0xbd: {  	_ =	sfence  }
0xbe: {  	s30 =	sld [smem:$0x0];
	_ =	sdelay $0x2  }
0xbf: {  	s31 =	sshll.u32 s1, $0xD;
	s1 =	sshrl.u32 s1, $0x2  }
0xc0: {  	s3 =	sand.u32 $0x4000, s31;
	s1 =	sadd.s32 s1, s30  }
0xc1: {  	s0 =	sor.u32 s3, s0;
	s1 =	sshll.u32 s1, $0x11  }
0xc2: {  	s0 =	sor.u32 s1, s0  }
0xc3: {  	s0 =	sadd.s32 $0x8F2B, s0  }
0xc4: {  	[sflag:s0] =	ssyncadd.remote.s32 $0x1  }
0xc5: {  	_ =	sfence.sel $0xFFFF  }
0xc6: {  	[dreg:$0x0] =	wrdreg $0xFFFFFFFF;
	(pc) =	sbr.abs _section_cstart, $3  }
0xc7: {  	[dreg:$0x1] =	wrdreg $0xFFFFFFFF  }
0xc8: {  	_ =	task.clear_ibuf [dreg:s11], $0x2FFFF;
	_ =	strace $0x9FFFFFFF  }
0xc9: {  	(tm) =	ssettm $0x7FFFFFFF  }
tec
execute0_lowered:
.L_overlay_start_1:
0x0: {  	(tag) =	ssettag $0x1  }
0x1: {  	s0 =	rddreg [dreg:$0x0]  }
0x2: {  	s6 =	rddreg [dreg:$0x1]  }
0x3: {  	s1 =	rddreg [dreg:$0x2]  }
0x4: {  	s2 =	rddreg [dreg:$0x3]  }
0x5: {  	s5 =	rddreg [dreg:$0x4];
	s4 =	simm.s32 $0x0;
	s7 =	srdreg.scid  }
0x6: {  	s3 =	stileid.u32;
	s11 =	simm.s32 $0x200;
	s12 =	simm.s32 $0x1  }
0x7: {  	s13 =	simm.s32 $0x80;
	s14 =	simm.s32 $0x400;
	s15 =	simm.s32 $0x600  }
0x8: {  	s16 =	simm.s32 $0x480;
	s17 =	simm.s32 $0x280;
	s18 =	simm.s32 $0x680  }
0x9: {  	s19 =	simm.s32 $0x100;
	s20 =	simm.s32 $0x500;
	s21 =	simm.s32 $0x300  }
0xa: {  	s22 =	simm.s32 $0x700;
	s23 =	simm.s32 $0x180;
	s24 =	simm.s32 $0x580  }
0xb: {  	s25 =	simm.s32 $0x380;
	s26 =	simm.s32 $0x780;
	s28 =	simm.s32 $0x2  }
0xc: {  	s29 =	simm.s32 $0x3;
	s30 =	simm.s32 $0x4;
	s7 =	sand.u32 $0x1, s7  }
0xd: {  	s31 =	simm.s32 $0x5;
	[smem:$0x7FF] =	sst s4;
	s8 =	ssub.s32 $0x2, s7  }
0xe: {  	s9 =	sshll.u32 s3, $0x7;
	s7 =	sshll.u32 s7, $0x6;
	s10 =	sshrl.u32 s8, $0x1  }
0xf: {  	_ =	strace $0x80000047;
	s7 =	sor.u32 s7, s9;
	s10 =	ssub.s32 s8, s10  }
0x10: {  	s0 =	sadd.s32 s0, s7;
	s5 =	sadd.s32 s5, s7;
	s6 =	sadd.s32 s6, s7  }
0x11: {  	[dreg:$0x6] =	wrdreg s0;
	s7 =	sadd.s32 $0x10, s5;
	s8 =	sadd.s32 $0x20, s5  }
0x12: {  	s9 =	sadd.s32 $0x30, s5;
	s10 =	smax.u32 s10, $0x1;
	s0 =	simm.s32 $0x6  }
.LBB2_1:
0x13: {  	s3 =	rddreg [dreg:$0x6]  }
0x14: {  	[tilespmem:s4], [sflag:$0x1] =	stream.linear.gather [hbm4b:s3+s4], $0x200, $0x38;
	[tilespmem:$0x800] =	vst v63  }
0x15: {  	_ = 	snop  }
0x16: {  	[tilespmem:s11], [sflag:$0x1] =	stream.linear.gather [hbm4b:s6+s4], $0x200, $0x38;
	[tilespmem:$0x800] =	vst v63  }
0x17: {  	_ =	swait.ge [sflag:s12], $0x200  }
0x18: {  	[sflag:s12] =	ssyncset.done $0x0  }
0x19: {  	[sflag:s12] =	ssyncadd.s32 $0xFFFFFE00  }
0x1a: {  	_ =	swait.ge [sflag:s12], $0x200  }
0x1b: {  	[sflag:s12] =	ssyncset.done $0x0  }
0x1c: {  	[sflag:s12] =	ssyncadd.s32 $0xFFFFFE00  }
0x1d: {  	[tilespmem:s14], [sflag:$0x2] =	stream.indirect.gather [hbm4b:s1+s13], $0x1, s4, s13, $0xb8;
	[tilespmem:$0x800] =	vst v63  }
0x1e: {  	_ = 	snop  }
0x1f: {  	[tilespmem:s15], [sflag:$0x2] =	stream.indirect.gather [hbm4b:s2+s13], $0x1, s11, s13, $0xb8;
	[tilespmem:$0x800] =	vst v63  }
0x20: {  	_ = 	snop  }
0x21: {  	[tilespmem:s16], [sflag:$0x3] =	stream.indirect.gather [hbm4b:s1+s13], $0x1, s13, s13, $0xb8;
	[tilespmem:$0x800] =	vst v63  }
0x22: {  	_ = 	snop  }
0x23: {  	[tilespmem:s18], [sflag:$0x3] =	stream.indirect.gather [hbm4b:s2+s13], $0x1, s17, s13, $0xb8;
	[tilespmem:$0x800] =	vst v63  }
0x24: {  	_ = 	snop  }
0x25: {  	[tilespmem:s20], [sflag:$0x4] =	stream.indirect.gather [hbm4b:s1+s13], $0x1, s19, s13, $0xb8;
	[tilespmem:$0x800] =	vst v63  }
0x26: {  	_ = 	snop  }
0x27: {  	[tilespmem:s22], [sflag:$0x4] =	stream.indirect.gather [hbm4b:s2+s13], $0x1, s21, s13, $0xb8;
	[tilespmem:$0x800] =	vst v63  }
0x28: {  	_ = 	snop  }
0x29: {  	[tilespmem:s24], [sflag:$0x5] =	stream.indirect.gather [hbm4b:s1+s13], $0x1, s23, s13, $0xb8;
	[tilespmem:$0x800] =	vst v63  }
0x2a: {  	_ = 	snop  }
0x2b: {  	[tilespmem:s26], [sflag:$0x5] =	stream.indirect.gather [hbm4b:s2+s13], $0x1, s25, s13, $0xb8;
	[tilespmem:$0x800] =	vst v63  }
0x2c: {  	_ =	swait.ge [sflag:s28], $0x80  }
0x2d: {  	[sflag:s28] =	ssyncset.done $0x0  }
0x2e: {  	[sflag:s28] =	ssyncadd.s32 $0xFFFFFF80  }
0x2f: {  	_ =	swait.ge [sflag:s28], $0x80  }
0x30: {  	[sflag:s28] =	ssyncset.done $0x0  }
0x31: {  	[sflag:s28] =	ssyncadd.s32 $0xFFFFFF80  }
0x32: {  	v0 =	vld [tilespmem:$0x400]  }
0x33: {  	v1 =	vld [tilespmem:$0x600]  }
0x34: {  	v2 =	vld [tilespmem:$0x410]  }
0x35: {  	v3 =	vld [tilespmem:$0x610]  }
0x36: {  	v4 =	vld [tilespmem:$0x420]  }
0x37: {  	v5 =	vld [tilespmem:$0x620]  }
0x38: {  	v6 =	vld [tilespmem:$0x430]  }
0x39: {  	v7 =	vld [tilespmem:$0x630]  }
0x3a: {  	v8 =	vld [tilespmem:$0x440]  }
0x3b: {  	v9 =	vld [tilespmem:$0x640]  }
0x3c: {  	v10 =	vld [tilespmem:$0x450]  }
0x3d: {  	v11 =	vld [tilespmem:$0x650]  }
0x3e: {  	v12 =	vld [tilespmem:$0x460]  }
0x3f: {  	v40 =	vld [tilespmem:$0x660];
	v0 =	vadd.f32 v1, v0  }
0x40: {  	v41 =	vld [tilespmem:$0x470];
	v2 =	vadd.f32 v3, v2  }
0x41: {  	v43 =	vld [tilespmem:$0x670];
	v42 =	vadd.f32 v5, v4;
	[tilespmem:$0x400] =	vst v0  }
0x42: {  	v44 =	vadd.f32 v7, v6;
	[tilespmem:$0x410] =	vst v2  }
0x43: {  	v45 =	vadd.f32 v9, v8;
	[tilespmem:$0x420] =	vst v42  }
0x44: {  	v46 =	vadd.f32 v11, v10;
	[tilespmem:$0x430] =	vst v44  }
0x45: {  	v47 =	vadd.f32 v40, v12;
	[tilespmem:$0x440] =	vst v45  }
0x46: {  	v48 =	vadd.f32 v43, v41;
	[tilespmem:$0x450] =	vst v46  }
0x47: {  	[tilespmem:$0x460] =	vst v47  }
0x48: {  	[tilespmem:$0x470] =	vst v48  }
0x49: {  	[hbm4b:s5+s4] =	stream.linear.scatter [tilespmem:s14], [sflag:$0x6], $0x80, $0x38;
	[tilespmem:$0x800] =	vst v63  }
0x4a: {  	_ =	swait.ge [sflag:s29], $0x80  }
0x4b: {  	[sflag:s29] =	ssyncset.done $0x0  }
0x4c: {  	[sflag:s29] =	ssyncadd.s32 $0xFFFFFF80  }
0x4d: {  	_ =	swait.ge [sflag:s29], $0x80  }
0x4e: {  	[sflag:s29] =	ssyncset.done $0x0  }
0x4f: {  	[sflag:s29] =	ssyncadd.s32 $0xFFFFFF80  }
0x50: {  	v49 =	vld [tilespmem:$0x480]  }
0x51: {  	v50 =	vld [tilespmem:$0x680]  }
0x52: {  	v51 =	vld [tilespmem:$0x490]  }
0x53: {  	v52 =	vld [tilespmem:$0x690]  }
0x54: {  	v53 =	vld [tilespmem:$0x4A0]  }
0x55: {  	v54 =	vld [tilespmem:$0x6A0]  }
0x56: {  	v55 =	vld [tilespmem:$0x4B0]  }
0x57: {  	v56 =	vld [tilespmem:$0x6B0]  }
0x58: {  	v57 =	vld [tilespmem:$0x4C0]  }
0x59: {  	v58 =	vld [tilespmem:$0x6C0]  }
0x5a: {  	v59 =	vld [tilespmem:$0x4D0]  }
0x5b: {  	v60 =	vld [tilespmem:$0x6D0]  }
0x5c: {  	v61 =	vld [tilespmem:$0x4E0]  }
0x5d: {  	v62 =	vld [tilespmem:$0x6E0];
	v0 =	vadd.f32 v50, v49  }
0x5e: {  	v63 =	vld [tilespmem:$0x4F0];
	v2 =	vadd.f32 v52, v51  }
0x5f: {  	v14 =	vld [tilespmem:$0x6F0];
	v13 =	vadd.f32 v54, v53;
	[tilespmem:$0x480] =	vst v0  }
0x60: {  	v15 =	vadd.f32 v56, v55;
	[tilespmem:$0x490] =	vst v2  }
0x61: {  	v16 =	vadd.f32 v58, v57;
	[tilespmem:$0x4A0] =	vst v13  }
0x62: {  	v17 =	vadd.f32 v60, v59;
	[tilespmem:$0x4B0] =	vst v15  }
0x63: {  	v18 =	vadd.f32 v62, v61;
	[tilespmem:$0x4C0] =	vst v16  }
0x64: {  	v19 =	vadd.f32 v14, v63;
	[tilespmem:$0x4D0] =	vst v17  }
0x65: {  	[tilespmem:$0x4E0] =	vst v18  }
0x66: {  	[tilespmem:$0x4F0] =	vst v19  }
0x67: {  	[hbm4b:s7+s4] =	stream.linear.scatter [tilespmem:s16], [sflag:$0x6], $0x80, $0x38;
	[tilespmem:$0x800] =	vst v63  }
0x68: {  	_ =	swait.ge [sflag:s30], $0x80  }
0x69: {  	[sflag:s30] =	ssyncset.done $0x0  }
0x6a: {  	[sflag:s30] =	ssyncadd.s32 $0xFFFFFF80  }
0x6b: {  	_ =	swait.ge [sflag:s30], $0x80  }
0x6c: {  	[sflag:s30] =	ssyncset.done $0x0  }
0x6d: {  	[sflag:s30] =	ssyncadd.s32 $0xFFFFFF80  }
0x6e: {  	v20 =	vld [tilespmem:$0x500]  }
0x6f: {  	v21 =	vld [tilespmem:$0x700]  }
0x70: {  	v22 =	vld [tilespmem:$0x510]  }
0x71: {  	v23 =	vld [tilespmem:$0x710]  }
0x72: {  	v24 =	vld [tilespmem:$0x520]  }
0x73: {  	v25 =	vld [tilespmem:$0x720]  }
0x74: {  	v26 =	vld [tilespmem:$0x530]  }
0x75: {  	v27 =	vld [tilespmem:$0x730]  }
0x76: {  	v28 =	vld [tilespmem:$0x540]  }
0x77: {  	v29 =	vld [tilespmem:$0x740]  }
0x78: {  	v30 =	vld [tilespmem:$0x550]  }
0x79: {  	v31 =	vld [tilespmem:$0x750]  }
0x7a: {  	v32 =	vld [tilespmem:$0x560]  }
0x7b: {  	v33 =	vld [tilespmem:$0x760];
	v0 =	vadd.f32 v21, v20  }
0x7c: {  	v34 =	vld [tilespmem:$0x570];
	v2 =	vadd.f32 v23, v22  }
0x7d: {  	v36 =	vld [tilespmem:$0x770];
	v35 =	vadd.f32 v25, v24;
	[tilespmem:$0x500] =	vst v0  }
0x7e: {  	v37 =	vadd.f32 v27, v26;
	[tilespmem:$0x510] =	vst v2  }
0x7f: {  	v38 =	vadd.f32 v29, v28;
	[tilespmem:$0x520] =	vst v35  }
0x80: {  	v39 =	vadd.f32 v31, v30;
	[tilespmem:$0x530] =	vst v37  }
0x81: {  	v40 =	vadd.f32 v33, v32;
	[tilespmem:$0x540] =	vst v38  }
0x82: {  	v41 =	vadd.f32 v36, v34;
	[tilespmem:$0x550] =	vst v39  }
0x83: {  	[tilespmem:$0x560] =	vst v40  }
0x84: {  	[tilespmem:$0x570] =	vst v41  }
0x85: {  	[hbm4b:s8+s4] =	stream.linear.scatter [tilespmem:s20], [sflag:$0x6], $0x80, $0x38;
	[tilespmem:$0x800] =	vst v63  }
0x86: {  	_ =	swait.ge [sflag:s31], $0x80  }
0x87: {  	[sflag:s31] =	ssyncset.done $0x0  }
0x88: {  	[sflag:s31] =	ssyncadd.s32 $0xFFFFFF80  }
0x89: {  	_ =	swait.ge [sflag:s31], $0x80  }
0x8a: {  	[sflag:s31] =	ssyncset.done $0x0  }
0x8b: {  	[sflag:s31] =	ssyncadd.s32 $0xFFFFFF80  }
0x8c: {  	v42 =	vld [tilespmem:$0x580]  }
0x8d: {  	v43 =	vld [tilespmem:$0x780]  }
0x8e: {  	v44 =	vld [tilespmem:$0x590]  }
0x8f: {  	v45 =	vld [tilespmem:$0x790]  }
0x90: {  	v46 =	vld [tilespmem:$0x5A0]  }
0x91: {  	v47 =	vld [tilespmem:$0x7A0]  }
0x92: {  	v48 =	vld [tilespmem:$0x5B0]  }
0x93: {  	v49 =	vld [tilespmem:$0x7B0]  }
0x94: {  	v50 =	vld [tilespmem:$0x5C0]  }
0x95: {  	v51 =	vld [tilespmem:$0x7C0]  }
0x96: {  	v52 =	vld [tilespmem:$0x5D0]  }
0x97: {  	v53 =	vld [tilespmem:$0x7D0]  }
0x98: {  	v54 =	vld [tilespmem:$0x5E0]  }
0x99: {  	v55 =	vld [tilespmem:$0x7E0];
	v0 =	vadd.f32 v43, v42  }
0x9a: {  	v56 =	vld [tilespmem:$0x5F0];
	v2 =	vadd.f32 v45, v44  }
0x9b: {  	v58 =	vld [tilespmem:$0x7F0];
	v57 =	vadd.f32 v47, v46;
	[tilespmem:$0x580] =	vst v0  }
0x9c: {  	v59 =	vadd.f32 v49, v48;
	[tilespmem:$0x590] =	vst v2  }
0x9d: {  	v60 =	vadd.f32 v51, v50;
	[tilespmem:$0x5A0] =	vst v57  }
0x9e: {  	v61 =	vadd.f32 v53, v52;
	[tilespmem:$0x5B0] =	vst v59  }
0x9f: {  	v62 =	vadd.f32 v55, v54;
	[tilespmem:$0x5C0] =	vst v60  }
0xa0: {  	v63 =	vadd.f32 v58, v56;
	[tilespmem:$0x5D0] =	vst v61  }
0xa1: {  	[tilespmem:$0x5E0] =	vst v62  }
0xa2: {  	[tilespmem:$0x5F0] =	vst v63  }
0xa3: {  	[hbm4b:s9+s4] =	stream.linear.scatter [tilespmem:s24], [sflag:$0x6], $0x80, $0x38;
	[tilespmem:$0x800] =	vst v63  }
0xa4: {  	_ =	swait.ge [sflag:s0], $0x80  }
0xa5: {  	[sflag:s0] =	ssyncset.done $0x0  }
0xa6: {  	[sflag:s0] =	ssyncadd.s32 $0xFFFFFF80  }
0xa7: {  	_ =	swait.ge [sflag:s0], $0x80  }
0xa8: {  	[sflag:s0] =	ssyncset.done $0x0  }
0xa9: {  	[sflag:s0] =	ssyncadd.s32 $0xFFFFFF80  }
0xaa: {  	p0 =	sne.s32 s10, $0x1;
	_ =	swait.ge [sflag:s0], $0x80  }
.Ltmp0:
0xab: {  	[sflag:s0] =	ssyncset.done $0x0;
	(pc) =	sbr.rel @p0 .LBB2_1-.Ltmp0, $4  }
0xac: {  	[sflag:s0] =	ssyncadd.s32 $0xFFFFFF80  }
0xad: {  	_ =	swait.ge [sflag:s0], $0x80  }
0xae: {  	[sflag:s0] =	ssyncset.done $0x0  }
0xaf: {  	s10 =	sadd.s32 $0xFFFFFFFF, s10;
	[sflag:s0] =	ssyncadd.s32 $0xFFFFFF80  }
0xb0: {  	_ =	sfence.sel $0x180000  }
0xb1: {  	[bflag:$0x0] =	sbarrier.arrive $0xFFFF  }
0xb2: {  	_ =	strace $0x90000047  }
0xb3: {  	s0 =	stileid.u32;
	[bflag:$0x2] =	sbarrier.arrive $0xFFFF  }
0xb4: {  	p0 =	sne.s32 s0, $0x0;
	s0 =	rddreg [dreg:$0x5]  }
0xb5: {  	s0 =	sadd.s32 @!p0 $0x100000, s0  }
0xb6: {  	[sflag:s0] =	ssyncadd.tile.s32 @!p0 $0x1;
	_ =	shalt  }
.Lfunc_end2:
_tile_overlayer_lowered:
.L_overlay_start_2:
0xb7: {  	(tag) =	ssettag $0x2  }
0xb8: {  	s0 =	rddreg [dreg:$0x0];
	s2 =	stileid.u32  }
0xb9: {  	s1 =	rddreg [dreg:$0x1];
	p0 =	sne.s32 s2, $0x0  }
0xba: {  	s3 =	rddreg [dreg:$0x2];
	[bflag:$0x3] =	sbarrier.arrive $0xFFFF;
	s2 =	simm.s32 @!p0 $0x1C07  }
0xbb: {  	[timem:s3], [sflag:s2] =	dma.local @!p0 [hbm:s0], s1  }
0xbc: {  	s0 =	simm.s32 @!p0 $0x7  }
0xbd: {  	_ =	swait.ge @!p0 [sflag:s0], s1  }
0xbe: {  	s1 =	ssub.s32 @!p0 $0x0, s1;
	[sflag:s0] =	ssyncset.done @!p0 $0x0  }
0xbf: {  	[sflag:s0] =	ssyncadd.s32 @!p0 s1  }
0xc0: {  	[bflag:$0x3] =	sbarrier.arrive $0xFFFF  }
0xc1: {  	_ =	shalt  }

</sc_bundles>
